<compile_context>
chip_gen: v7x
topology: tpu7x:2x2x1
jax: 0.10.2.dev20260603
libtpu: 0.0.44.dev20260713+nightly
codegen_flags: <defaults>
</compile_context>

<pallas_src>
import functools

import jax
import jax.numpy as jnp
from jax import lax
from jax.experimental import pallas as pl
from jax.experimental.pallas import tpu as pltpu
from jax.experimental.pallas import tpu_sc as plsc

N = 10000
D = 128
NP = 10240
E = 320000
NS = 16
BLK = 128
NBT = 158
E_PAD = NS * NBT * BLK
BM = 512
GRID = NP // BM
K0_96, K0_48 = 97, 99
K1_96, K1_48 = NBT - K0_96, NBT - K0_48



def _k1a_body(x_ref, wa_ref, ba_ref, y_ref):
    y_ref[...] = jnp.dot(x_ref[...], wa_ref[...],
                         preferred_element_type=jnp.float32) + ba_ref[...]


def _k1a(x_p, W_aug, b_aug):
    return pl.pallas_call(
        _k1a_body,
        grid=(GRID,),
        in_specs=[
            pl.BlockSpec((BM, D), lambda i: (i, 0)),
            pl.BlockSpec((D, 96), lambda i: (0, 0)),
            pl.BlockSpec((1, 96), lambda i: (0, 0)),
        ],
        out_specs=pl.BlockSpec((BM, 96), lambda i: (i, 0)),
        out_shape=jax.ShapeDtypeStruct((NP, 96), jnp.float32),
    )(x_p, W_aug, b_aug)


def _k1b_body(x_ref, w0_ref, b0_ref, h0_ref):
    h0_ref[...] = jnp.maximum(
        jnp.dot(x_ref[...], w0_ref[...], preferred_element_type=jnp.float32)
        + b0_ref[...], 0.0)


def _k1b(x_p, W0p, b0p):
    return pl.pallas_call(
        _k1b_body,
        grid=(GRID,),
        in_specs=[
            pl.BlockSpec((BM, D), lambda i: (i, 0)),
            pl.BlockSpec((D, 48), lambda i: (0, 0)),
            pl.BlockSpec((1, 48), lambda i: (0, 0)),
        ],
        out_specs=pl.BlockSpec((BM, 48), lambda i: (i, 0)),
        out_shape=jax.ShapeDtypeStruct((NP, 48), jnp.float32),
    )(x_p, W0p, b0p)


def _make_sc_combine():
    stripe = NP // 32
    mesh = plsc.VectorSubcoreMesh(core_axis_name="c", subcore_axis_name="s")

    @functools.partial(
        pl.kernel,
        mesh=mesh,
        compiler_params=pltpu.CompilerParams(use_tc_tiling_on_sc=False),
        out_type=jax.ShapeDtypeStruct((NP, 96), jnp.float32),
        scratch_types=[
            pltpu.VMEM((stripe, 96), jnp.float32),
            pltpu.VMEM((stripe, 96), jnp.float32),
        ],
    )
    def comb(zp_hbm, out_hbm, a_v, b_v):
        c = lax.axis_index("c")
        s = lax.axis_index("s")
        base = (c * NS + s) * stripe
        pltpu.sync_copy(zp_hbm.at[0, pl.ds(base, stripe)], a_v)
        pltpu.sync_copy(zp_hbm.at[1, pl.ds(base, stripe)], b_v)

        def body(r, carry):
            for cc in range(6):
                sl = pl.ds(cc * 16, 16)
                a_v[r, sl] = a_v[r, sl] + b_v[r, sl]
            return carry

        lax.fori_loop(0, stripe, body, 0)
        pltpu.sync_copy(a_v, out_hbm.at[pl.ds(base, stripe)])

    return comb


def _k3b_body(z_ref, b1p_ref, h1r_ref, d2b_ref):
    z = z_ref[...]
    dinv = 1.0 / jnp.maximum(z[:, 95:96], 1.0)
    h1r_ref[...] = jnp.maximum(z * dinv + b1p_ref[...], 0.0)
    d2b_ref[...] = jnp.broadcast_to(dinv * dinv, (BM, 48))


def _k3b(z, b1p):
    return pl.pallas_call(
        _k3b_body,
        grid=(GRID,),
        in_specs=[
            pl.BlockSpec((BM, 96), lambda i: (i, 0)),
            pl.BlockSpec((1, 96), lambda i: (0, 0)),
        ],
        out_specs=[
            pl.BlockSpec((BM, 96), lambda i: (i, 0)),
            pl.BlockSpec((BM, 48), lambda i: (i, 0)),
        ],
        out_shape=[
            jax.ShapeDtypeStruct((NP, 96), jnp.float32),
            jax.ShapeDtypeStruct((NP, 48), jnp.float32),
        ],
    )(z, b1p)


def _k5a_body(h0r_ref, h1r_ref, wf0_ref, wf1_ref, bf_ref, s_ref):
    s_ref[...] = (
        jnp.dot(h0r_ref[...], wf0_ref[...], preferred_element_type=jnp.float32)
        + jnp.dot(h1r_ref[...], wf1_ref[...], preferred_element_type=jnp.float32)
        + bf_ref[...])


def _k5a(h0r, h1r, Wf0p, Wf1p, bfp):
    return pl.pallas_call(
        _k5a_body,
        grid=(GRID,),
        in_specs=[
            pl.BlockSpec((BM, 48), lambda i: (i, 0)),
            pl.BlockSpec((BM, 96), lambda i: (i, 0)),
            pl.BlockSpec((48, 8), lambda i: (0, 0)),
            pl.BlockSpec((96, 8), lambda i: (0, 0)),
            pl.BlockSpec((1, 8), lambda i: (0, 0)),
        ],
        out_specs=pl.BlockSpec((BM, 8), lambda i: (i, 0)),
        out_shape=jax.ShapeDtypeStruct((NP, 8), jnp.float32),
    )(h0r, h1r, Wf0p, Wf1p, bfp)


def _k5b_body(s_ref, tp_ref, d2b_ref, b2p_ref, wf2_ref, out_ref):
    t = tp_ref[0] + tp_ref[1]
    h2r = jnp.maximum(t * d2b_ref[...] + b2p_ref[...], 0.0)
    out_ref[...] = s_ref[...] + jnp.dot(
        h2r, wf2_ref[...], preferred_element_type=jnp.float32)


def _k5b(s01, tp, d2b, b2p, Wf2p):
    return pl.pallas_call(
        _k5b_body,
        grid=(GRID,),
        in_specs=[
            pl.BlockSpec((BM, 8), lambda i: (i, 0)),
            pl.BlockSpec((2, BM, 48), lambda i: (0, i, 0)),
            pl.BlockSpec((BM, 48), lambda i: (i, 0)),
            pl.BlockSpec((1, 48), lambda i: (0, 0)),
            pl.BlockSpec((48, 8), lambda i: (0, 0)),
        ],
        out_specs=pl.BlockSpec((BM, 8), lambda i: (i, 0)),
        out_shape=jax.ShapeDtypeStruct((NP, 8), jnp.float32),
    )(s01, tp, d2b, b2p, Wf2p)



def _make_spmm(width, k0, k1):
    rows_per = NP // NS
    kmax = max(k0, k1)
    mesh = plsc.VectorSubcoreMesh(core_axis_name="c", subcore_axis_name="s")

    @functools.partial(
        pl.kernel,
        mesh=mesh,
        compiler_params=pltpu.CompilerParams(use_tc_tiling_on_sc=False),
        out_type=jax.ShapeDtypeStruct((2, NP, width), jnp.float32),
        scratch_types=[
            pltpu.VMEM_SHARED((NP, width), jnp.float32),
            pltpu.VMEM((kmax, BLK), jnp.int32),
            pltpu.VMEM((kmax, BLK), jnp.int32),
            pltpu.VMEM((BLK, width), jnp.float32),
            pltpu.VMEM((BLK, width), jnp.float32),
            pltpu.SemaphoreType.DMA,
            pltpu.SemaphoreType.DMA,
        ],
    )
    def spmm(y_hbm, src_hbm, dst_hbm, zeros_hbm, out_hbm,
             acc_sh, src_v, dst_v, rows0_v, rows1_v, sem0, sem1):
        c = lax.axis_index("c")
        s = lax.axis_index("s")

        def stage(k, base):
            pltpu.sync_copy(zeros_hbm.at[pl.ds(s * rows_per, rows_per)],
                            acc_sh.at[pl.ds(s * rows_per, rows_per)])
            pltpu.sync_copy(src_hbm.at[pl.ds(base + s * k, k)], src_v.at[pl.ds(0, k)])
            pltpu.sync_copy(dst_hbm.at[pl.ds(base + s * k, k)], dst_v.at[pl.ds(0, k)])

        @pl.when(c == 0)
        def _():
            stage(k0, 0)

        @pl.when(c == 1)
        def _():
            stage(k1, NS * k0)

        plsc.subcore_barrier()

        def run(k):
            def start(j, buf, sem):
                pltpu.async_copy(y_hbm.at[dst_v.at[j]], buf, sem)

            def wait(buf, sem):
                pltpu.make_async_copy(y_hbm.at[dst_v.at[0]], buf, sem).wait()

            def scat(buf, j):
                pltpu.sync_copy(buf, acc_sh.at[src_v.at[j]], add=True)

            start(0, rows0_v, sem0)

            def body(jj, carry):
                j0 = 2 * jj
                start(j0 + 1, rows1_v, sem1)
                wait(rows0_v, sem0)
                scat(rows0_v, j0)
                start(j0 + 2, rows0_v, sem0)
                wait(rows1_v, sem1)
                scat(rows1_v, j0 + 1)
                return carry

            lax.fori_loop(0, (k - 1) // 2, body, 0)
            wait(rows0_v, sem0)
            scat(rows0_v, k - 1)

        @pl.when(c == 0)
        def _():
            run(k0)

        @pl.when(c == 1)
        def _():
            run(k1)

        plsc.subcore_barrier()
        pltpu.sync_copy(acc_sh.at[pl.ds(s * rows_per, rows_per)],
                        out_hbm.at[c, pl.ds(s * rows_per, rows_per)])

    return spmm


def kernel(x, edge_index, W0, b0, W1, b1, W2, b2, Wf, bf):
    _spmm96 = _make_spmm(96, K0_96, K1_96)
    _spmm48 = _make_spmm(48, K0_48, K1_48)
    f32 = jnp.float32
    src, dst = edge_index[0], edge_index[1]
    pad_src = (N + jnp.arange(E_PAD - E, dtype=jnp.int32) % (NP - N)).astype(jnp.int32)
    pad_dst = jnp.full((E_PAD - E,), N, jnp.int32)
    srcf = jnp.concatenate([src, pad_src]).reshape(NS * NBT, BLK)
    dstf = jnp.concatenate([dst, pad_dst]).reshape(NS * NBT, BLK)
    dstf2 = dstf * 2

    x_p = jnp.zeros((NP, D), f32).at[:N].set(x)
    W_aug = jnp.zeros((D, 96), f32).at[:, 0:44].set(W2).at[:, 44:86].set(W1)
    b_aug = jnp.zeros((1, 96), f32).at[0, 95].set(1.0)
    W0p = jnp.zeros((D, 48), f32).at[:, 0:42].set(W0)
    b0p = jnp.zeros((1, 48), f32).at[0, 0:42].set(b0)
    b1p = jnp.zeros((1, 96), f32).at[0, 44:86].set(b1)
    b2p = jnp.zeros((1, 48), f32).at[0, 0:44].set(b2)
    Wf0p = jnp.zeros((48, 8), f32).at[0:42, 0:2].set(Wf[0:42])
    Wf1p = jnp.zeros((96, 8), f32).at[44:86, 0:2].set(Wf[42:84])
    Wf2p = jnp.zeros((48, 8), f32).at[0:44, 0:2].set(Wf[84:128])
    bfp = jnp.zeros((1, 8), f32).at[0, 0:2].set(bf)
    zeros96 = jnp.zeros((NP, 96), f32)
    zeros48 = jnp.zeros((NP, 48), f32)

    y_aug = _k1a(x_p, W_aug, b_aug)
    zp = _spmm96(y_aug, srcf, dstf, zeros96)
    h0r = _k1b(x_p, W0p, b0p)
    z = _make_sc_combine()(zp)
    tp = _spmm48(z.reshape(2 * NP, 48), srcf, dstf2, zeros48)
    h1r, d2b = _k3b(z, b1p)
    s01 = _k5a(h0r, h1r, Wf0p, Wf1p, bfp)
    out = _k5b(s01, tp, d2b, b2p, Wf2p)
    return out[:N, 0:2]

# --- scband reference (transcript-rebuilt; emitter-appended) ---
"""Pipeline reference for scband-mix-hop-24481313587860 (READ-ONLY COPY).

The authoritative reference and input builder live on the scoring server;
editing this copy changes nothing except your own understanding.
"""

import jax, jax.numpy as jnp
import numpy as np

N = 10000
E = 320000
D = 128
H = 128
HP = H // 3          # 42
H2 = H - 2 * HP      # 44
OUT = 2


def _linear_params(key, fan_in, fan_out):
    k1, k2 = jax.random.split(key)
    s = 1.0 / np.sqrt(fan_in)
    W = jax.random.uniform(k1, (fan_in, fan_out), minval=-s, maxval=s, dtype=jnp.float32)
    b = jax.random.uniform(k2, (fan_out,), minval=-s, maxval=s, dtype=jnp.float32)
    return W, b


def setup_inputs(seed: int = 0) -> dict:
    key = jax.random.key(seed)
    ks = jax.random.split(key, 6)
    x = jax.random.normal(ks[0], (N, D), dtype=jnp.float32)
    edge_index = jax.random.randint(ks[1], (2, E), 0, N, dtype=jnp.int32)
    W0, b0 = _linear_params(ks[2], D, HP)
    W1, b1 = _linear_params(ks[3], D, HP)
    W2, b2 = _linear_params(ks[4], D, H2)
    Wf, bf = _linear_params(ks[5], H, OUT)
    return {"x": x, "edge_index": edge_index,
            "W0": W0, "b0": b0, "W1": W1, "b1": b1,
            "W2": W2, "b2": b2, "Wf": Wf, "bf": bf}


def _spmm(edge_index, x, n):
    # adj[i, j] = 1 for (row=edge_index[0], col=edge_index[1]); adj @ x
    src = edge_index[0]
    dst = edge_index[1]
    return jax.ops.segment_sum(jnp.take(x, dst, axis=0), src, num_segments=n)


def reference(x, edge_index, W0, b0, W1, b1, W2, b2, Wf, bf):
    n = x.shape[0]
    deg = jax.ops.segment_sum(jnp.ones((edge_index.shape[1],), dtype=jnp.float32),
                              edge_index[0], num_segments=n)
    deg = jnp.maximum(deg, 1.0)
    deg_inv = 1.0 / deg
    # hop 0
    h0 = x @ W0 + b0
    # hop 1
    ax = _spmm(edge_index, x, n)
    h1 = (ax * deg_inv[:, None]) @ W1 + b1
    # hop 2
    aax = _spmm(edge_index, ax, n)
    h2 = (aax * (deg_inv ** 2)[:, None]) @ W2 + b2
    h = jnp.concatenate([h0, h1, h2], axis=1)
    h = jax.nn.relu(h)
    # dropout is identity in eval mode
    out = h @ Wf + bf
    return out

if __name__ == "__main__":
    import jax
    _d = setup_inputs()
    print(jax.jit(kernel)(*tuple(_d.values())))

</pallas_src>

<mosaic_0001>
#map = affine_map<(d0, d1) -> (0, 0)>
#map1 = affine_map<(d0, d1) -> (0, 0, 0)>
module attributes {stable_mosaic.version = 14 : i64} {
  func.func @spmm(%arg0: i32, %arg1: i32, %arg2: memref<20480x48xf32, #tpu.memory_space<hbm>>, %arg3: memref<2528x128xi32, #tpu.memory_space<hbm>>, %arg4: memref<2528x128xi32, #tpu.memory_space<hbm>>, %arg5: memref<10240x48xf32, #tpu.memory_space<hbm>>, %arg6: memref<2x10240x48xf32, #tpu.memory_space<hbm>>, %arg7: memref<10240x48xf32, #tpu.memory_space<vmem_shared>>, %arg8: memref<99x128xi32, #tpu.memory_space<vmem>>, %arg9: memref<99x128xi32, #tpu.memory_space<vmem>>, %arg10: memref<128x48xf32, #tpu.memory_space<vmem>>, %arg11: memref<128x48xf32, #tpu.memory_space<vmem>>, %arg12: memref<!tpu.dma_semaphore, #tpu.memory_space<semaphore_mem>>, %arg13: memref<!tpu.dma_semaphore, #tpu.memory_space<semaphore_mem>>) attributes {dimension_semantics = [#tpu.dimension_semantics<core_parallel>, #tpu.dimension_semantics<subcore_parallel>], iteration_bounds = array<i64: 2, 16>, scalar_prefetch = 0 : i64, scratch_operands = 7 : i64, tpu.core_type = #tpu.core_type<sc_vector_subcore>, window_params = [{transform_indices = #map}, {transform_indices = #map}, {transform_indices = #map}, {transform_indices = #map}, {transform_indices = #map1}]} {
    %eq3A = arith.constant 0 : i32
    %eq3A_0 = arith.cmpi eq, %arg0, %eq3A : i32
    %convert_element_type3A = arith.extui %eq3A_0 : i1 to i32
    %cond3A = arith.constant 0 : i32
    %cond3A_1 = arith.cmpi ne, %convert_element_type3A, %cond3A : i32
    scf.if %cond3A_1 {
      %mul3A_21 = arith.constant 640 : i32
      %mul3A_22 = arith.muli %arg1, %mul3A_21 : i32
      %mul3A_23 = arith.constant 640 : i32
      %mul3A_24 = arith.muli %arg1, %mul3A_23 : i32
      "tpu.region"() ({
        %run_scoped3A = tpu.sem_alloc : memref<!tpu.dma_semaphore, #tpu.memory_space<semaphore_mem>>
        %dma_start3A = arith.constant 0 : i32
        %dma_start3A_32 = tpu.memref_slice %arg7[%mul3A_24, %dma_start3A] : memref<10240x48xf32, #tpu.memory_space<vmem_shared>> -> memref<640x48xf32, #tpu.memory_space<vmem_shared>>
        %dma_start3A_33 = arith.constant 0 : i32
        %dma_start3A_34 = tpu.memref_slice %arg5[%mul3A_22, %dma_start3A_33] : memref<10240x48xf32, #tpu.memory_space<hbm>> -> memref<640x48xf32, #tpu.memory_space<hbm>>
        tpu.enqueue_dma source(%dma_start3A_34 : memref<640x48xf32, #tpu.memory_space<hbm>>) target(%dma_start3A_32 : memref<640x48xf32, #tpu.memory_space<vmem_shared>>) target_semaphore(%run_scoped3A : memref<!tpu.dma_semaphore, #tpu.memory_space<semaphore_mem>>)
        %dma_wait3A = arith.constant 0 : i32
        %dma_wait3A_35 = tpu.memref_slice %arg7[%mul3A_24, %dma_wait3A] : memref<10240x48xf32, #tpu.memory_space<vmem_shared>> -> memref<640x48xf32, #tpu.memory_space<vmem_shared>>
        %dma_wait3A_36 = arith.constant 0 : i32
        %dma_wait3A_37 = tpu.memref_slice %arg5[%mul3A_22, %dma_wait3A_36] : memref<10240x48xf32, #tpu.memory_space<hbm>> -> memref<640x48xf32, #tpu.memory_space<hbm>>
        tpu.wait_dma2 semaphore(%run_scoped3A : memref<!tpu.dma_semaphore, #tpu.memory_space<semaphore_mem>>) src(%dma_wait3A_37 : memref<640x48xf32, #tpu.memory_space<hbm>>) dst(%dma_wait3A_35 : memref<640x48xf32, #tpu.memory_space<vmem_shared>>)
        tpu.yield
      }) : () -> ()
      %mul3A_25 = arith.constant 99 : i32
      %mul3A_26 = arith.muli %arg1, %mul3A_25 : i32
      %add3A = arith.constant 0 : i32
      %add3A_27 = arith.addi %add3A, %mul3A_26 : i32
      "tpu.region"() ({
        %run_scoped3A = tpu.sem_alloc : memref<!tpu.dma_semaphore, #tpu.memory_space<semaphore_mem>>
        %dma_start3A = arith.constant 0 : i32
        %dma_start3A_32 = arith.constant 0 : i32
        %dma_start3A_33 = tpu.memref_slice %arg8[%dma_start3A, %dma_start3A_32] : memref<99x128xi32, #tpu.memory_space<vmem>> -> memref<99x128xi32, #tpu.memory_space<vmem>>
        %dma_start3A_34 = arith.constant 0 : i32
        %dma_start3A_35 = tpu.memref_slice %arg3[%add3A_27, %dma_start3A_34] : memref<2528x128xi32, #tpu.memory_space<hbm>> -> memref<99x128xi32, #tpu.memory_space<hbm>>
        %dma_start3A_36 = arith.constant 0 : i32
        %dma_start3A_37 = arith.constant 0 : i32
        %dma_start3A_38 = tpu.memref_slice %arg8[%dma_start3A_36, %dma_start3A_37] : memref<99x128xi32, #tpu.memory_space<vmem>> -> memref<99x128xi32, #tpu.memory_space<vmem>>
        %dma_start3A_39 = arith.constant 0 : i32
        %dma_start3A_40 = tpu.memref_slice %arg3[%add3A_27, %dma_start3A_39] : memref<2528x128xi32, #tpu.memory_space<hbm>> -> memref<99x128xi32, #tpu.memory_space<hbm>>
        tpu.enqueue_dma source(%dma_start3A_40 : memref<99x128xi32, #tpu.memory_space<hbm>>) target(%dma_start3A_38 : memref<99x128xi32, #tpu.memory_space<vmem>>) target_semaphore(%run_scoped3A : memref<!tpu.dma_semaphore, #tpu.memory_space<semaphore_mem>>)
        %dma_wait3A = arith.constant 0 : i32
        %dma_wait3A_41 = arith.constant 0 : i32
        %dma_wait3A_42 = tpu.memref_slice %arg8[%dma_wait3A, %dma_wait3A_41] : memref<99x128xi32, #tpu.memory_space<vmem>> -> memref<99x128xi32, #tpu.memory_space<vmem>>
        %dma_wait3A_43 = arith.constant 0 : i32
        %dma_wait3A_44 = tpu.memref_slice %arg3[%add3A_27, %dma_wait3A_43] : memref<2528x128xi32, #tpu.memory_space<hbm>> -> memref<99x128xi32, #tpu.memory_space<hbm>>
        %dma_wait3A_45 = arith.constant 0 : i32
        %dma_wait3A_46 = arith.constant 0 : i32
        %dma_wait3A_47 = tpu.memref_slice %arg8[%dma_wait3A_45, %dma_wait3A_46] : memref<99x128xi32, #tpu.memory_space<vmem>> -> memref<99x128xi32, #tpu.memory_space<vmem>>
        %dma_wait3A_48 = arith.constant 0 : i32
        %dma_wait3A_49 = tpu.memref_slice %arg3[%add3A_27, %dma_wait3A_48] : memref<2528x128xi32, #tpu.memory_space<hbm>> -> memref<99x128xi32, #tpu.memory_space<hbm>>
        tpu.wait_dma2 semaphore(%run_scoped3A : memref<!tpu.dma_semaphore, #tpu.memory_space<semaphore_mem>>) src(%dma_wait3A_49 : memref<99x128xi32, #tpu.memory_space<hbm>>) dst(%dma_wait3A_47 : memref<99x128xi32, #tpu.memory_space<vmem>>)
        tpu.yield
      }) : () -> ()
      %mul3A_28 = arith.constant 99 : i32
      %mul3A_29 = arith.muli %arg1, %mul3A_28 : i32
      %add3A_30 = arith.constant 0 : i32
      %add3A_31 = arith.addi %add3A_30, %mul3A_29 : i32
      "tpu.region"() ({
        %run_scoped3A = tpu.sem_alloc : memref<!tpu.dma_semaphore, #tpu.memory_space<semaphore_mem>>
        %dma_start3A = arith.constant 0 : i32
        %dma_start3A_32 = arith.constant 0 : i32
        %dma_start3A_33 = tpu.memref_slice %arg9[%dma_start3A, %dma_start3A_32] : memref<99x128xi32, #tpu.memory_space<vmem>> -> memref<99x128xi32, #tpu.memory_space<vmem>>
        %dma_start3A_34 = arith.constant 0 : i32
        %dma_start3A_35 = tpu.memref_slice %arg4[%add3A_31, %dma_start3A_34] : memref<2528x128xi32, #tpu.memory_space<hbm>> -> memref<99x128xi32, #tpu.memory_space<hbm>>
        %dma_start3A_36 = arith.constant 0 : i32
        %dma_start3A_37 = arith.constant 0 : i32
        %dma_start3A_38 = tpu.memref_slice %arg9[%dma_start3A_36, %dma_start3A_37] : memref<99x128xi32, #tpu.memory_space<vmem>> -> memref<99x128xi32, #tpu.memory_space<vmem>>
        %dma_start3A_39 = arith.constant 0 : i32
        %dma_start3A_40 = tpu.memref_slice %arg4[%add3A_31, %dma_start3A_39] : memref<2528x128xi32, #tpu.memory_space<hbm>> -> memref<99x128xi32, #tpu.memory_space<hbm>>
        tpu.enqueue_dma source(%dma_start3A_40 : memref<99x128xi32, #tpu.memory_space<hbm>>) target(%dma_start3A_38 : memref<99x128xi32, #tpu.memory_space<vmem>>) target_semaphore(%run_scoped3A : memref<!tpu.dma_semaphore, #tpu.memory_space<semaphore_mem>>)
        %dma_wait3A = arith.constant 0 : i32
        %dma_wait3A_41 = arith.constant 0 : i32
        %dma_wait3A_42 = tpu.memref_slice %arg9[%dma_wait3A, %dma_wait3A_41] : memref<99x128xi32, #tpu.memory_space<vmem>> -> memref<99x128xi32, #tpu.memory_space<vmem>>
        %dma_wait3A_43 = arith.constant 0 : i32
        %dma_wait3A_44 = tpu.memref_slice %arg4[%add3A_31, %dma_wait3A_43] : memref<2528x128xi32, #tpu.memory_space<hbm>> -> memref<99x128xi32, #tpu.memory_space<hbm>>
        %dma_wait3A_45 = arith.constant 0 : i32
        %dma_wait3A_46 = arith.constant 0 : i32
        %dma_wait3A_47 = tpu.memref_slice %arg9[%dma_wait3A_45, %dma_wait3A_46] : memref<99x128xi32, #tpu.memory_space<vmem>> -> memref<99x128xi32, #tpu.memory_space<vmem>>
        %dma_wait3A_48 = arith.constant 0 : i32
        %dma_wait3A_49 = tpu.memref_slice %arg4[%add3A_31, %dma_wait3A_48] : memref<2528x128xi32, #tpu.memory_space<hbm>> -> memref<99x128xi32, #tpu.memory_space<hbm>>
        tpu.wait_dma2 semaphore(%run_scoped3A : memref<!tpu.dma_semaphore, #tpu.memory_space<semaphore_mem>>) src(%dma_wait3A_49 : memref<99x128xi32, #tpu.memory_space<hbm>>) dst(%dma_wait3A_47 : memref<99x128xi32, #tpu.memory_space<vmem>>)
        tpu.yield
      }) : () -> ()
    } else {
    }
    %eq3A_2 = arith.constant 1 : i32
    %eq3A_3 = arith.cmpi eq, %arg0, %eq3A_2 : i32
    %convert_element_type3A_4 = arith.extui %eq3A_3 : i1 to i32
    %cond3A_5 = arith.constant 0 : i32
    %cond3A_6 = arith.cmpi ne, %convert_element_type3A_4, %cond3A_5 : i32
    scf.if %cond3A_6 {
      %mul3A_21 = arith.constant 640 : i32
      %mul3A_22 = arith.muli %arg1, %mul3A_21 : i32
      %mul3A_23 = arith.constant 640 : i32
      %mul3A_24 = arith.muli %arg1, %mul3A_23 : i32
      "tpu.region"() ({
        %run_scoped3A = tpu.sem_alloc : memref<!tpu.dma_semaphore, #tpu.memory_space<semaphore_mem>>
        %dma_start3A = arith.constant 0 : i32
        %dma_start3A_32 = tpu.memref_slice %arg7[%mul3A_24, %dma_start3A] : memref<10240x48xf32, #tpu.memory_space<vmem_shared>> -> memref<640x48xf32, #tpu.memory_space<vmem_shared>>
        %dma_start3A_33 = arith.constant 0 : i32
        %dma_start3A_34 = tpu.memref_slice %arg5[%mul3A_22, %dma_start3A_33] : memref<10240x48xf32, #tpu.memory_space<hbm>> -> memref<640x48xf32, #tpu.memory_space<hbm>>
        tpu.enqueue_dma source(%dma_start3A_34 : memref<640x48xf32, #tpu.memory_space<hbm>>) target(%dma_start3A_32 : memref<640x48xf32, #tpu.memory_space<vmem_shared>>) target_semaphore(%run_scoped3A : memref<!tpu.dma_semaphore, #tpu.memory_space<semaphore_mem>>)
        %dma_wait3A = arith.constant 0 : i32
        %dma_wait3A_35 = tpu.memref_slice %arg7[%mul3A_24, %dma_wait3A] : memref<10240x48xf32, #tpu.memory_space<vmem_shared>> -> memref<640x48xf32, #tpu.memory_space<vmem_shared>>
        %dma_wait3A_36 = arith.constant 0 : i32
        %dma_wait3A_37 = tpu.memref_slice %arg5[%mul3A_22, %dma_wait3A_36] : memref<10240x48xf32, #tpu.memory_space<hbm>> -> memref<640x48xf32, #tpu.memory_space<hbm>>
        tpu.wait_dma2 semaphore(%run_scoped3A : memref<!tpu.dma_semaphore, #tpu.memory_space<semaphore_mem>>) src(%dma_wait3A_37 : memref<640x48xf32, #tpu.memory_space<hbm>>) dst(%dma_wait3A_35 : memref<640x48xf32, #tpu.memory_space<vmem_shared>>)
        tpu.yield
      }) : () -> ()
      %mul3A_25 = arith.constant 59 : i32
      %mul3A_26 = arith.muli %arg1, %mul3A_25 : i32
      %add3A = arith.constant 1584 : i32
      %add3A_27 = arith.addi %add3A, %mul3A_26 : i32
      "tpu.region"() ({
        %run_scoped3A = tpu.sem_alloc : memref<!tpu.dma_semaphore, #tpu.memory_space<semaphore_mem>>
        %dma_start3A = arith.constant 0 : i32
        %dma_start3A_32 = arith.constant 0 : i32
        %dma_start3A_33 = tpu.memref_slice %arg8[%dma_start3A, %dma_start3A_32] : memref<99x128xi32, #tpu.memory_space<vmem>> -> memref<59x128xi32, #tpu.memory_space<vmem>>
        %dma_start3A_34 = arith.constant 0 : i32
        %dma_start3A_35 = tpu.memref_slice %arg3[%add3A_27, %dma_start3A_34] : memref<2528x128xi32, #tpu.memory_space<hbm>> -> memref<59x128xi32, #tpu.memory_space<hbm>>
        %dma_start3A_36 = arith.constant 0 : i32
        %dma_start3A_37 = arith.constant 0 : i32
        %dma_start3A_38 = tpu.memref_slice %arg8[%dma_start3A_36, %dma_start3A_37] : memref<99x128xi32, #tpu.memory_space<vmem>> -> memref<59x128xi32, #tpu.memory_space<vmem>>
        %dma_start3A_39 = arith.constant 0 : i32
        %dma_start3A_40 = tpu.memref_slice %arg3[%add3A_27, %dma_start3A_39] : memref<2528x128xi32, #tpu.memory_space<hbm>> -> memref<59x128xi32, #tpu.memory_space<hbm>>
        tpu.enqueue_dma source(%dma_start3A_40 : memref<59x128xi32, #tpu.memory_space<hbm>>) target(%dma_start3A_38 : memref<59x128xi32, #tpu.memory_space<vmem>>) target_semaphore(%run_scoped3A : memref<!tpu.dma_semaphore, #tpu.memory_space<semaphore_mem>>)
        %dma_wait3A = arith.constant 0 : i32
        %dma_wait3A_41 = arith.constant 0 : i32
        %dma_wait3A_42 = tpu.memref_slice %arg8[%dma_wait3A, %dma_wait3A_41] : memref<99x128xi32, #tpu.memory_space<vmem>> -> memref<59x128xi32, #tpu.memory_space<vmem>>
        %dma_wait3A_43 = arith.constant 0 : i32
        %dma_wait3A_44 = tpu.memref_slice %arg3[%add3A_27, %dma_wait3A_43] : memref<2528x128xi32, #tpu.memory_space<hbm>> -> memref<59x128xi32, #tpu.memory_space<hbm>>
        %dma_wait3A_45 = arith.constant 0 : i32
        %dma_wait3A_46 = arith.constant 0 : i32
        %dma_wait3A_47 = tpu.memref_slice %arg8[%dma_wait3A_45, %dma_wait3A_46] : memref<99x128xi32, #tpu.memory_space<vmem>> -> memref<59x128xi32, #tpu.memory_space<vmem>>
        %dma_wait3A_48 = arith.constant 0 : i32
        %dma_wait3A_49 = tpu.memref_slice %arg3[%add3A_27, %dma_wait3A_48] : memref<2528x128xi32, #tpu.memory_space<hbm>> -> memref<59x128xi32, #tpu.memory_space<hbm>>
        tpu.wait_dma2 semaphore(%run_scoped3A : memref<!tpu.dma_semaphore, #tpu.memory_space<semaphore_mem>>) src(%dma_wait3A_49 : memref<59x128xi32, #tpu.memory_space<hbm>>) dst(%dma_wait3A_47 : memref<59x128xi32, #tpu.memory_space<vmem>>)
        tpu.yield
      }) : () -> ()
      %mul3A_28 = arith.constant 59 : i32
      %mul3A_29 = arith.muli %arg1, %mul3A_28 : i32
      %add3A_30 = arith.constant 1584 : i32
      %add3A_31 = arith.addi %add3A_30, %mul3A_29 : i32
      "tpu.region"() ({
        %run_scoped3A = tpu.sem_alloc : memref<!tpu.dma_semaphore, #tpu.memory_space<semaphore_mem>>
        %dma_start3A = arith.constant 0 : i32
        %dma_start3A_32 = arith.constant 0 : i32
        %dma_start3A_33 = tpu.memref_slice %arg9[%dma_start3A, %dma_start3A_32] : memref<99x128xi32, #tpu.memory_space<vmem>> -> memref<59x128xi32, #tpu.memory_space<vmem>>
        %dma_start3A_34 = arith.constant 0 : i32
        %dma_start3A_35 = tpu.memref_slice %arg4[%add3A_31, %dma_start3A_34] : memref<2528x128xi32, #tpu.memory_space<hbm>> -> memref<59x128xi32, #tpu.memory_space<hbm>>
        %dma_start3A_36 = arith.constant 0 : i32
        %dma_start3A_37 = arith.constant 0 : i32
        %dma_start3A_38 = tpu.memref_slice %arg9[%dma_start3A_36, %dma_start3A_37] : memref<99x128xi32, #tpu.memory_space<vmem>> -> memref<59x128xi32, #tpu.memory_space<vmem>>
        %dma_start3A_39 = arith.constant 0 : i32
        %dma_start3A_40 = tpu.memref_slice %arg4[%add3A_31, %dma_start3A_39] : memref<2528x128xi32, #tpu.memory_space<hbm>> -> memref<59x128xi32, #tpu.memory_space<hbm>>
        tpu.enqueue_dma source(%dma_start3A_40 : memref<59x128xi32, #tpu.memory_space<hbm>>) target(%dma_start3A_38 : memref<59x128xi32, #tpu.memory_space<vmem>>) target_semaphore(%run_scoped3A : memref<!tpu.dma_semaphore, #tpu.memory_space<semaphore_mem>>)
        %dma_wait3A = arith.constant 0 : i32
        %dma_wait3A_41 = arith.constant 0 : i32
        %dma_wait3A_42 = tpu.memref_slice %arg9[%dma_wait3A, %dma_wait3A_41] : memref<99x128xi32, #tpu.memory_space<vmem>> -> memref<59x128xi32, #tpu.memory_space<vmem>>
        %dma_wait3A_43 = arith.constant 0 : i32
        %dma_wait3A_44 = tpu.memref_slice %arg4[%add3A_31, %dma_wait3A_43] : memref<2528x128xi32, #tpu.memory_space<hbm>> -> memref<59x128xi32, #tpu.memory_space<hbm>>
        %dma_wait3A_45 = arith.constant 0 : i32
        %dma_wait3A_46 = arith.constant 0 : i32
        %dma_wait3A_47 = tpu.memref_slice %arg9[%dma_wait3A_45, %dma_wait3A_46] : memref<99x128xi32, #tpu.memory_space<vmem>> -> memref<59x128xi32, #tpu.memory_space<vmem>>
        %dma_wait3A_48 = arith.constant 0 : i32
        %dma_wait3A_49 = tpu.memref_slice %arg4[%add3A_31, %dma_wait3A_48] : memref<2528x128xi32, #tpu.memory_space<hbm>> -> memref<59x128xi32, #tpu.memory_space<hbm>>
        tpu.wait_dma2 semaphore(%run_scoped3A : memref<!tpu.dma_semaphore, #tpu.memory_space<semaphore_mem>>) src(%dma_wait3A_49 : memref<59x128xi32, #tpu.memory_space<hbm>>) dst(%dma_wait3A_47 : memref<59x128xi32, #tpu.memory_space<vmem>>)
        tpu.yield
      }) : () -> ()
    } else {
    }
    %barrier3A = arith.constant 0 : index
    tpu.barrier barrier_id(%barrier3A)
    %eq3A_7 = arith.constant 0 : i32
    %eq3A_8 = arith.cmpi eq, %arg0, %eq3A_7 : i32
    %convert_element_type3A_9 = arith.extui %eq3A_8 : i1 to i32
    %cond3A_10 = arith.constant 0 : i32
    %cond3A_11 = arith.cmpi ne, %convert_element_type3A_9, %cond3A_10 : i32
    scf.if %cond3A_11 {
      %dma_start3A = arith.constant 0 : i32
      %dma_start3A_21 = arith.constant 0 : i32
      %dma_start3A_22 = tpu.memref_slice %arg9[%dma_start3A, %dma_start3A_21] : memref<99x128xi32, #tpu.memory_space<vmem>> -> memref<1x128xi32, #tpu.memory_space<vmem>>
      %dma_start3A_23 = tpu.memref_squeeze %dma_start3A_22 : memref<1x128xi32, #tpu.memory_space<vmem>> -> memref<128xi32, #tpu.memory_space<vmem>>
      %dma_start3A_24 = arith.constant 0 : i32
      %dma_start3A_25 = arith.constant 0 : i32
      %dma_start3A_26 = tpu.memref_slice %arg2[%dma_start3A_24, %dma_start3A_25] : memref<20480x48xf32, #tpu.memory_space<hbm>> -> memref<20480x48xf32, #tpu.memory_space<hbm>>
      tpu.enqueue_indirect_dma source(%dma_start3A_26 : memref<20480x48xf32, #tpu.memory_space<hbm>>) target(%arg10 : memref<128x48xf32, #tpu.memory_space<vmem>>) offsets(%dma_start3A_23 : memref<128xi32, #tpu.memory_space<vmem>>) semaphore(%arg12 : memref<!tpu.dma_semaphore, #tpu.memory_space<semaphore_mem>>)
      %scan3A = arith.constant 0 : i32
      %scan3A_27 = arith.constant 0 : i32
      %scan3A_28 = arith.constant 49 : i32
      %scan3A_29 = arith.addi %scan3A_27, %scan3A_28 : i32
      %scan3A_30 = arith.constant 1 : i32
      scf.for %scan3A_38 = %scan3A_27 to %scan3A_29 step %scan3A_30  : i32 {
        %mul3A_39 = arith.constant 2 : i32
        %mul3A_40 = arith.muli %mul3A_39, %scan3A_38 : i32
        %add3A = arith.constant 1 : i32
        %add3A_41 = arith.addi %mul3A_40, %add3A : i32
        %dma_start3A_42 = arith.constant 0 : i32
        %dma_start3A_43 = tpu.memref_slice %arg9[%add3A_41, %dma_start3A_42] : memref<99x128xi32, #tpu.memory_space<vmem>> -> memref<1x128xi32, #tpu.memory_space<vmem>>
        %dma_start3A_44 = tpu.memref_squeeze %dma_start3A_43 : memref<1x128xi32, #tpu.memory_space<vmem>> -> memref<128xi32, #tpu.memory_space<vmem>>
        %dma_start3A_45 = arith.constant 0 : i32
        %dma_start3A_46 = arith.constant 0 : i32
        %dma_start3A_47 = tpu.memref_slice %arg2[%dma_start3A_45, %dma_start3A_46] : memref<20480x48xf32, #tpu.memory_space<hbm>> -> memref<20480x48xf32, #tpu.memory_space<hbm>>
        tpu.enqueue_indirect_dma source(%dma_start3A_47 : memref<20480x48xf32, #tpu.memory_space<hbm>>) target(%arg11 : memref<128x48xf32, #tpu.memory_space<vmem>>) offsets(%dma_start3A_44 : memref<128xi32, #tpu.memory_space<vmem>>) semaphore(%arg13 : memref<!tpu.dma_semaphore, #tpu.memory_space<semaphore_mem>>)
        %dma_wait3A_48 = arith.constant 0 : i32
        %dma_wait3A_49 = arith.constant 0 : i32
        %dma_wait3A_50 = tpu.memref_slice %arg9[%dma_wait3A_48, %dma_wait3A_49] : memref<99x128xi32, #tpu.memory_space<vmem>> -> memref<1x128xi32, #tpu.memory_space<vmem>>
        %dma_wait3A_51 = tpu.memref_squeeze %dma_wait3A_50 : memref<1x128xi32, #tpu.memory_space<vmem>> -> memref<128xi32, #tpu.memory_space<vmem>>
        %dma_wait3A_52 = arith.constant 0 : i32
        %dma_wait3A_53 = arith.constant 0 : i32
        %dma_wait3A_54 = tpu.memref_slice %arg2[%dma_wait3A_52, %dma_wait3A_53] : memref<20480x48xf32, #tpu.memory_space<hbm>> -> memref<20480x48xf32, #tpu.memory_space<hbm>>
        tpu.wait_indirect_dma semaphore(%arg12 : memref<!tpu.dma_semaphore, #tpu.memory_space<semaphore_mem>>) src(%dma_wait3A_54 : memref<20480x48xf32, #tpu.memory_space<hbm>>) dst(%arg10 : memref<128x48xf32, #tpu.memory_space<vmem>>)
        "tpu.region"() ({
          %run_scoped3A_72 = tpu.sem_alloc : memref<!tpu.dma_semaphore, #tpu.memory_space<semaphore_mem>>
          %dma_start3A_73 = arith.constant 0 : i32
          %dma_start3A_74 = tpu.memref_slice %arg8[%mul3A_40, %dma_start3A_73] : memref<99x128xi32, #tpu.memory_space<vmem>> -> memref<1x128xi32, #tpu.memory_space<vmem>>
          %dma_start3A_75 = tpu.memref_squeeze %dma_start3A_74 : memref<1x128xi32, #tpu.memory_space<vmem>> -> memref<128xi32, #tpu.memory_space<vmem>>
          %dma_start3A_76 = arith.constant 0 : i32
          %dma_start3A_77 = arith.constant 0 : i32
          %dma_start3A_78 = tpu.memref_slice %arg7[%dma_start3A_76, %dma_start3A_77] : memref<10240x48xf32, #tpu.memory_space<vmem_shared>> -> memref<10240x48xf32, #tpu.memory_space<vmem_shared>>
          tpu.enqueue_indirect_dma source(%arg10 : memref<128x48xf32, #tpu.memory_space<vmem>>) target(%dma_start3A_78 : memref<10240x48xf32, #tpu.memory_space<vmem_shared>>) offsets(%dma_start3A_75 : memref<128xi32, #tpu.memory_space<vmem>>) semaphore(%run_scoped3A_72 : memref<!tpu.dma_semaphore, #tpu.memory_space<semaphore_mem>>) {add = true}
          %dma_wait3A_79 = arith.constant 0 : i32
          %dma_wait3A_80 = tpu.memref_slice %arg8[%mul3A_40, %dma_wait3A_79] : memref<99x128xi32, #tpu.memory_space<vmem>> -> memref<1x128xi32, #tpu.memory_space<vmem>>
          %dma_wait3A_81 = tpu.memref_squeeze %dma_wait3A_80 : memref<1x128xi32, #tpu.memory_space<vmem>> -> memref<128xi32, #tpu.memory_space<vmem>>
          %dma_wait3A_82 = arith.constant 0 : i32
          %dma_wait3A_83 = arith.constant 0 : i32
          %dma_wait3A_84 = tpu.memref_slice %arg7[%dma_wait3A_82, %dma_wait3A_83] : memref<10240x48xf32, #tpu.memory_space<vmem_shared>> -> memref<10240x48xf32, #tpu.memory_space<vmem_shared>>
          tpu.wait_indirect_dma semaphore(%run_scoped3A_72 : memref<!tpu.dma_semaphore, #tpu.memory_space<semaphore_mem>>) src(%arg10 : memref<128x48xf32, #tpu.memory_space<vmem>>) dst(%dma_wait3A_84 : memref<10240x48xf32, #tpu.memory_space<vmem_shared>>)
          tpu.yield
        }) : () -> ()
        %add3A_55 = arith.constant 2 : i32
        %add3A_56 = arith.addi %mul3A_40, %add3A_55 : i32
        %dma_start3A_57 = arith.constant 0 : i32
        %dma_start3A_58 = tpu.memref_slice %arg9[%add3A_56, %dma_start3A_57] : memref<99x128xi32, #tpu.memory_space<vmem>> -> memref<1x128xi32, #tpu.memory_space<vmem>>
        %dma_start3A_59 = tpu.memref_squeeze %dma_start3A_58 : memref<1x128xi32, #tpu.memory_space<vmem>> -> memref<128xi32, #tpu.memory_space<vmem>>
        %dma_start3A_60 = arith.constant 0 : i32
        %dma_start3A_61 = arith.constant 0 : i32
        %dma_start3A_62 = tpu.memref_slice %arg2[%dma_start3A_60, %dma_start3A_61] : memref<20480x48xf32, #tpu.memory_space<hbm>> -> memref<20480x48xf32, #tpu.memory_space<hbm>>
        tpu.enqueue_indirect_dma source(%dma_start3A_62 : memref<20480x48xf32, #tpu.memory_space<hbm>>) target(%arg10 : memref<128x48xf32, #tpu.memory_space<vmem>>) offsets(%dma_start3A_59 : memref<128xi32, #tpu.memory_space<vmem>>) semaphore(%arg12 : memref<!tpu.dma_semaphore, #tpu.memory_space<semaphore_mem>>)
        %dma_wait3A_63 = arith.constant 0 : i32
        %dma_wait3A_64 = arith.constant 0 : i32
        %dma_wait3A_65 = tpu.memref_slice %arg9[%dma_wait3A_63, %dma_wait3A_64] : memref<99x128xi32, #tpu.memory_space<vmem>> -> memref<1x128xi32, #tpu.memory_space<vmem>>
        %dma_wait3A_66 = tpu.memref_squeeze %dma_wait3A_65 : memref<1x128xi32, #tpu.memory_space<vmem>> -> memref<128xi32, #tpu.memory_space<vmem>>
        %dma_wait3A_67 = arith.constant 0 : i32
        %dma_wait3A_68 = arith.constant 0 : i32
        %dma_wait3A_69 = tpu.memref_slice %arg2[%dma_wait3A_67, %dma_wait3A_68] : memref<20480x48xf32, #tpu.memory_space<hbm>> -> memref<20480x48xf32, #tpu.memory_space<hbm>>
        tpu.wait_indirect_dma semaphore(%arg13 : memref<!tpu.dma_semaphore, #tpu.memory_space<semaphore_mem>>) src(%dma_wait3A_69 : memref<20480x48xf32, #tpu.memory_space<hbm>>) dst(%arg11 : memref<128x48xf32, #tpu.memory_space<vmem>>)
        %add3A_70 = arith.constant 1 : i32
        %add3A_71 = arith.addi %mul3A_40, %add3A_70 : i32
        "tpu.region"() ({
          %run_scoped3A_72 = tpu.sem_alloc : memref<!tpu.dma_semaphore, #tpu.memory_space<semaphore_mem>>
          %dma_start3A_73 = arith.constant 0 : i32
          %dma_start3A_74 = tpu.memref_slice %arg8[%add3A_71, %dma_start3A_73] : memref<99x128xi32, #tpu.memory_space<vmem>> -> memref<1x128xi32, #tpu.memory_space<vmem>>
          %dma_start3A_75 = tpu.memref_squeeze %dma_start3A_74 : memref<1x128xi32, #tpu.memory_space<vmem>> -> memref<128xi32, #tpu.memory_space<vmem>>
          %dma_start3A_76 = arith.constant 0 : i32
          %dma_start3A_77 = arith.constant 0 : i32
          %dma_start3A_78 = tpu.memref_slice %arg7[%dma_start3A_76, %dma_start3A_77] : memref<10240x48xf32, #tpu.memory_space<vmem_shared>> -> memref<10240x48xf32, #tpu.memory_space<vmem_shared>>
          tpu.enqueue_indirect_dma source(%arg11 : memref<128x48xf32, #tpu.memory_space<vmem>>) target(%dma_start3A_78 : memref<10240x48xf32, #tpu.memory_space<vmem_shared>>) offsets(%dma_start3A_75 : memref<128xi32, #tpu.memory_space<vmem>>) semaphore(%run_scoped3A_72 : memref<!tpu.dma_semaphore, #tpu.memory_space<semaphore_mem>>) {add = true}
          %dma_wait3A_79 = arith.constant 0 : i32
          %dma_wait3A_80 = tpu.memref_slice %arg8[%add3A_71, %dma_wait3A_79] : memref<99x128xi32, #tpu.memory_space<vmem>> -> memref<1x128xi32, #tpu.memory_space<vmem>>
          %dma_wait3A_81 = tpu.memref_squeeze %dma_wait3A_80 : memref<1x128xi32, #tpu.memory_space<vmem>> -> memref<128xi32, #tpu.memory_space<vmem>>
          %dma_wait3A_82 = arith.constant 0 : i32
          %dma_wait3A_83 = arith.constant 0 : i32
          %dma_wait3A_84 = tpu.memref_slice %arg7[%dma_wait3A_82, %dma_wait3A_83] : memref<10240x48xf32, #tpu.memory_space<vmem_shared>> -> memref<10240x48xf32, #tpu.memory_space<vmem_shared>>
          tpu.wait_indirect_dma semaphore(%run_scoped3A_72 : memref<!tpu.dma_semaphore, #tpu.memory_space<semaphore_mem>>) src(%arg11 : memref<128x48xf32, #tpu.memory_space<vmem>>) dst(%dma_wait3A_84 : memref<10240x48xf32, #tpu.memory_space<vmem_shared>>)
          tpu.yield
        }) : () -> ()
      }
      %scan3A_31 = arith.constant 49 : i32
      %dma_wait3A = arith.constant 0 : i32
      %dma_wait3A_32 = arith.constant 0 : i32
      %dma_wait3A_33 = tpu.memref_slice %arg9[%dma_wait3A, %dma_wait3A_32] : memref<99x128xi32, #tpu.memory_space<vmem>> -> memref<1x128xi32, #tpu.memory_space<vmem>>
      %dma_wait3A_34 = tpu.memref_squeeze %dma_wait3A_33 : memref<1x128xi32, #tpu.memory_space<vmem>> -> memref<128xi32, #tpu.memory_space<vmem>>
      %dma_wait3A_35 = arith.constant 0 : i32
      %dma_wait3A_36 = arith.constant 0 : i32
      %dma_wait3A_37 = tpu.memref_slice %arg2[%dma_wait3A_35, %dma_wait3A_36] : memref<20480x48xf32, #tpu.memory_space<hbm>> -> memref<20480x48xf32, #tpu.memory_space<hbm>>
      tpu.wait_indirect_dma semaphore(%arg12 : memref<!tpu.dma_semaphore, #tpu.memory_space<semaphore_mem>>) src(%dma_wait3A_37 : memref<20480x48xf32, #tpu.memory_space<hbm>>) dst(%arg10 : memref<128x48xf32, #tpu.memory_space<vmem>>)
      %run_scoped3A = arith.constant 98 : i32
      "tpu.region"() ({
        %run_scoped3A_38 = tpu.sem_alloc : memref<!tpu.dma_semaphore, #tpu.memory_space<semaphore_mem>>
        %dma_start3A_39 = arith.constant 0 : i32
        %dma_start3A_40 = tpu.memref_slice %arg8[%run_scoped3A, %dma_start3A_39] : memref<99x128xi32, #tpu.memory_space<vmem>> -> memref<1x128xi32, #tpu.memory_space<vmem>>
        %dma_start3A_41 = tpu.memref_squeeze %dma_start3A_40 : memref<1x128xi32, #tpu.memory_space<vmem>> -> memref<128xi32, #tpu.memory_space<vmem>>
        %dma_start3A_42 = arith.constant 0 : i32
        %dma_start3A_43 = arith.constant 0 : i32
        %dma_start3A_44 = tpu.memref_slice %arg7[%dma_start3A_42, %dma_start3A_43] : memref<10240x48xf32, #tpu.memory_space<vmem_shared>> -> memref<10240x48xf32, #tpu.memory_space<vmem_shared>>
        tpu.enqueue_indirect_dma source(%arg10 : memref<128x48xf32, #tpu.memory_space<vmem>>) target(%dma_start3A_44 : memref<10240x48xf32, #tpu.memory_space<vmem_shared>>) offsets(%dma_start3A_41 : memref<128xi32, #tpu.memory_space<vmem>>) semaphore(%run_scoped3A_38 : memref<!tpu.dma_semaphore, #tpu.memory_space<semaphore_mem>>) {add = true}
        %dma_wait3A_45 = arith.constant 0 : i32
        %dma_wait3A_46 = tpu.memref_slice %arg8[%run_scoped3A, %dma_wait3A_45] : memref<99x128xi32, #tpu.memory_space<vmem>> -> memref<1x128xi32, #tpu.memory_space<vmem>>
        %dma_wait3A_47 = tpu.memref_squeeze %dma_wait3A_46 : memref<1x128xi32, #tpu.memory_space<vmem>> -> memref<128xi32, #tpu.memory_space<vmem>>
        %dma_wait3A_48 = arith.constant 0 : i32
        %dma_wait3A_49 = arith.constant 0 : i32
        %dma_wait3A_50 = tpu.memref_slice %arg7[%dma_wait3A_48, %dma_wait3A_49] : memref<10240x48xf32, #tpu.memory_space<vmem_shared>> -> memref<10240x48xf32, #tpu.memory_space<vmem_shared>>
        tpu.wait_indirect_dma semaphore(%run_scoped3A_38 : memref<!tpu.dma_semaphore, #tpu.memory_space<semaphore_mem>>) src(%arg10 : memref<128x48xf32, #tpu.memory_space<vmem>>) dst(%dma_wait3A_50 : memref<10240x48xf32, #tpu.memory_space<vmem_shared>>)
        tpu.yield
      }) : () -> ()
    } else {
    }
    %eq3A_12 = arith.constant 1 : i32
    %eq3A_13 = arith.cmpi eq, %arg0, %eq3A_12 : i32
    %convert_element_type3A_14 = arith.extui %eq3A_13 : i1 to i32
    %cond3A_15 = arith.constant 0 : i32
    %cond3A_16 = arith.cmpi ne, %convert_element_type3A_14, %cond3A_15 : i32
    scf.if %cond3A_16 {
      %dma_start3A = arith.constant 0 : i32
      %dma_start3A_21 = arith.constant 0 : i32
      %dma_start3A_22 = tpu.memref_slice %arg9[%dma_start3A, %dma_start3A_21] : memref<99x128xi32, #tpu.memory_space<vmem>> -> memref<1x128xi32, #tpu.memory_space<vmem>>
      %dma_start3A_23 = tpu.memref_squeeze %dma_start3A_22 : memref<1x128xi32, #tpu.memory_space<vmem>> -> memref<128xi32, #tpu.memory_space<vmem>>
      %dma_start3A_24 = arith.constant 0 : i32
      %dma_start3A_25 = arith.constant 0 : i32
      %dma_start3A_26 = tpu.memref_slice %arg2[%dma_start3A_24, %dma_start3A_25] : memref<20480x48xf32, #tpu.memory_space<hbm>> -> memref<20480x48xf32, #tpu.memory_space<hbm>>
      tpu.enqueue_indirect_dma source(%dma_start3A_26 : memref<20480x48xf32, #tpu.memory_space<hbm>>) target(%arg10 : memref<128x48xf32, #tpu.memory_space<vmem>>) offsets(%dma_start3A_23 : memref<128xi32, #tpu.memory_space<vmem>>) semaphore(%arg12 : memref<!tpu.dma_semaphore, #tpu.memory_space<semaphore_mem>>)
      %scan3A = arith.constant 0 : i32
      %scan3A_27 = arith.constant 0 : i32
      %scan3A_28 = arith.constant 29 : i32
      %scan3A_29 = arith.addi %scan3A_27, %scan3A_28 : i32
      %scan3A_30 = arith.constant 1 : i32
      scf.for %scan3A_38 = %scan3A_27 to %scan3A_29 step %scan3A_30  : i32 {
        %mul3A_39 = arith.constant 2 : i32
        %mul3A_40 = arith.muli %mul3A_39, %scan3A_38 : i32
        %add3A = arith.constant 1 : i32
        %add3A_41 = arith.addi %mul3A_40, %add3A : i32
        %dma_start3A_42 = arith.constant 0 : i32
        %dma_start3A_43 = tpu.memref_slice %arg9[%add3A_41, %dma_start3A_42] : memref<99x128xi32, #tpu.memory_space<vmem>> -> memref<1x128xi32, #tpu.memory_space<vmem>>
        %dma_start3A_44 = tpu.memref_squeeze %dma_start3A_43 : memref<1x128xi32, #tpu.memory_space<vmem>> -> memref<128xi32, #tpu.memory_space<vmem>>
        %dma_start3A_45 = arith.constant 0 : i32
        %dma_start3A_46 = arith.constant 0 : i32
        %dma_start3A_47 = tpu.memref_slice %arg2[%dma_start3A_45, %dma_start3A_46] : memref<20480x48xf32, #tpu.memory_space<hbm>> -> memref<20480x48xf32, #tpu.memory_space<hbm>>
        tpu.enqueue_indirect_dma source(%dma_start3A_47 : memref<20480x48xf32, #tpu.memory_space<hbm>>) target(%arg11 : memref<128x48xf32, #tpu.memory_space<vmem>>) offsets(%dma_start3A_44 : memref<128xi32, #tpu.memory_space<vmem>>) semaphore(%arg13 : memref<!tpu.dma_semaphore, #tpu.memory_space<semaphore_mem>>)
        %dma_wait3A_48 = arith.constant 0 : i32
        %dma_wait3A_49 = arith.constant 0 : i32
        %dma_wait3A_50 = tpu.memref_slice %arg9[%dma_wait3A_48, %dma_wait3A_49] : memref<99x128xi32, #tpu.memory_space<vmem>> -> memref<1x128xi32, #tpu.memory_space<vmem>>
        %dma_wait3A_51 = tpu.memref_squeeze %dma_wait3A_50 : memref<1x128xi32, #tpu.memory_space<vmem>> -> memref<128xi32, #tpu.memory_space<vmem>>
        %dma_wait3A_52 = arith.constant 0 : i32
        %dma_wait3A_53 = arith.constant 0 : i32
        %dma_wait3A_54 = tpu.memref_slice %arg2[%dma_wait3A_52, %dma_wait3A_53] : memref<20480x48xf32, #tpu.memory_space<hbm>> -> memref<20480x48xf32, #tpu.memory_space<hbm>>
        tpu.wait_indirect_dma semaphore(%arg12 : memref<!tpu.dma_semaphore, #tpu.memory_space<semaphore_mem>>) src(%dma_wait3A_54 : memref<20480x48xf32, #tpu.memory_space<hbm>>) dst(%arg10 : memref<128x48xf32, #tpu.memory_space<vmem>>)
        "tpu.region"() ({
          %run_scoped3A_72 = tpu.sem_alloc : memref<!tpu.dma_semaphore, #tpu.memory_space<semaphore_mem>>
          %dma_start3A_73 = arith.constant 0 : i32
          %dma_start3A_74 = tpu.memref_slice %arg8[%mul3A_40, %dma_start3A_73] : memref<99x128xi32, #tpu.memory_space<vmem>> -> memref<1x128xi32, #tpu.memory_space<vmem>>
          %dma_start3A_75 = tpu.memref_squeeze %dma_start3A_74 : memref<1x128xi32, #tpu.memory_space<vmem>> -> memref<128xi32, #tpu.memory_space<vmem>>
          %dma_start3A_76 = arith.constant 0 : i32
          %dma_start3A_77 = arith.constant 0 : i32
          %dma_start3A_78 = tpu.memref_slice %arg7[%dma_start3A_76, %dma_start3A_77] : memref<10240x48xf32, #tpu.memory_space<vmem_shared>> -> memref<10240x48xf32, #tpu.memory_space<vmem_shared>>
          tpu.enqueue_indirect_dma source(%arg10 : memref<128x48xf32, #tpu.memory_space<vmem>>) target(%dma_start3A_78 : memref<10240x48xf32, #tpu.memory_space<vmem_shared>>) offsets(%dma_start3A_75 : memref<128xi32, #tpu.memory_space<vmem>>) semaphore(%run_scoped3A_72 : memref<!tpu.dma_semaphore, #tpu.memory_space<semaphore_mem>>) {add = true}
          %dma_wait3A_79 = arith.constant 0 : i32
          %dma_wait3A_80 = tpu.memref_slice %arg8[%mul3A_40, %dma_wait3A_79] : memref<99x128xi32, #tpu.memory_space<vmem>> -> memref<1x128xi32, #tpu.memory_space<vmem>>
          %dma_wait3A_81 = tpu.memref_squeeze %dma_wait3A_80 : memref<1x128xi32, #tpu.memory_space<vmem>> -> memref<128xi32, #tpu.memory_space<vmem>>
          %dma_wait3A_82 = arith.constant 0 : i32
          %dma_wait3A_83 = arith.constant 0 : i32
          %dma_wait3A_84 = tpu.memref_slice %arg7[%dma_wait3A_82, %dma_wait3A_83] : memref<10240x48xf32, #tpu.memory_space<vmem_shared>> -> memref<10240x48xf32, #tpu.memory_space<vmem_shared>>
          tpu.wait_indirect_dma semaphore(%run_scoped3A_72 : memref<!tpu.dma_semaphore, #tpu.memory_space<semaphore_mem>>) src(%arg10 : memref<128x48xf32, #tpu.memory_space<vmem>>) dst(%dma_wait3A_84 : memref<10240x48xf32, #tpu.memory_space<vmem_shared>>)
          tpu.yield
        }) : () -> ()
        %add3A_55 = arith.constant 2 : i32
        %add3A_56 = arith.addi %mul3A_40, %add3A_55 : i32
        %dma_start3A_57 = arith.constant 0 : i32
        %dma_start3A_58 = tpu.memref_slice %arg9[%add3A_56, %dma_start3A_57] : memref<99x128xi32, #tpu.memory_space<vmem>> -> memref<1x128xi32, #tpu.memory_space<vmem>>
        %dma_start3A_59 = tpu.memref_squeeze %dma_start3A_58 : memref<1x128xi32, #tpu.memory_space<vmem>> -> memref<128xi32, #tpu.memory_space<vmem>>
        %dma_start3A_60 = arith.constant 0 : i32
        %dma_start3A_61 = arith.constant 0 : i32
        %dma_start3A_62 = tpu.memref_slice %arg2[%dma_start3A_60, %dma_start3A_61] : memref<20480x48xf32, #tpu.memory_space<hbm>> -> memref<20480x48xf32, #tpu.memory_space<hbm>>
        tpu.enqueue_indirect_dma source(%dma_start3A_62 : memref<20480x48xf32, #tpu.memory_space<hbm>>) target(%arg10 : memref<128x48xf32, #tpu.memory_space<vmem>>) offsets(%dma_start3A_59 : memref<128xi32, #tpu.memory_space<vmem>>) semaphore(%arg12 : memref<!tpu.dma_semaphore, #tpu.memory_space<semaphore_mem>>)
        %dma_wait3A_63 = arith.constant 0 : i32
        %dma_wait3A_64 = arith.constant 0 : i32
        %dma_wait3A_65 = tpu.memref_slice %arg9[%dma_wait3A_63, %dma_wait3A_64] : memref<99x128xi32, #tpu.memory_space<vmem>> -> memref<1x128xi32, #tpu.memory_space<vmem>>
        %dma_wait3A_66 = tpu.memref_squeeze %dma_wait3A_65 : memref<1x128xi32, #tpu.memory_space<vmem>> -> memref<128xi32, #tpu.memory_space<vmem>>
        %dma_wait3A_67 = arith.constant 0 : i32
        %dma_wait3A_68 = arith.constant 0 : i32
        %dma_wait3A_69 = tpu.memref_slice %arg2[%dma_wait3A_67, %dma_wait3A_68] : memref<20480x48xf32, #tpu.memory_space<hbm>> -> memref<20480x48xf32, #tpu.memory_space<hbm>>
        tpu.wait_indirect_dma semaphore(%arg13 : memref<!tpu.dma_semaphore, #tpu.memory_space<semaphore_mem>>) src(%dma_wait3A_69 : memref<20480x48xf32, #tpu.memory_space<hbm>>) dst(%arg11 : memref<128x48xf32, #tpu.memory_space<vmem>>)
        %add3A_70 = arith.constant 1 : i32
        %add3A_71 = arith.addi %mul3A_40, %add3A_70 : i32
        "tpu.region"() ({
          %run_scoped3A_72 = tpu.sem_alloc : memref<!tpu.dma_semaphore, #tpu.memory_space<semaphore_mem>>
          %dma_start3A_73 = arith.constant 0 : i32
          %dma_start3A_74 = tpu.memref_slice %arg8[%add3A_71, %dma_start3A_73] : memref<99x128xi32, #tpu.memory_space<vmem>> -> memref<1x128xi32, #tpu.memory_space<vmem>>
          %dma_start3A_75 = tpu.memref_squeeze %dma_start3A_74 : memref<1x128xi32, #tpu.memory_space<vmem>> -> memref<128xi32, #tpu.memory_space<vmem>>
          %dma_start3A_76 = arith.constant 0 : i32
          %dma_start3A_77 = arith.constant 0 : i32
          %dma_start3A_78 = tpu.memref_slice %arg7[%dma_start3A_76, %dma_start3A_77] : memref<10240x48xf32, #tpu.memory_space<vmem_shared>> -> memref<10240x48xf32, #tpu.memory_space<vmem_shared>>
          tpu.enqueue_indirect_dma source(%arg11 : memref<128x48xf32, #tpu.memory_space<vmem>>) target(%dma_start3A_78 : memref<10240x48xf32, #tpu.memory_space<vmem_shared>>) offsets(%dma_start3A_75 : memref<128xi32, #tpu.memory_space<vmem>>) semaphore(%run_scoped3A_72 : memref<!tpu.dma_semaphore, #tpu.memory_space<semaphore_mem>>) {add = true}
          %dma_wait3A_79 = arith.constant 0 : i32
          %dma_wait3A_80 = tpu.memref_slice %arg8[%add3A_71, %dma_wait3A_79] : memref<99x128xi32, #tpu.memory_space<vmem>> -> memref<1x128xi32, #tpu.memory_space<vmem>>
          %dma_wait3A_81 = tpu.memref_squeeze %dma_wait3A_80 : memref<1x128xi32, #tpu.memory_space<vmem>> -> memref<128xi32, #tpu.memory_space<vmem>>
          %dma_wait3A_82 = arith.constant 0 : i32
          %dma_wait3A_83 = arith.constant 0 : i32
          %dma_wait3A_84 = tpu.memref_slice %arg7[%dma_wait3A_82, %dma_wait3A_83] : memref<10240x48xf32, #tpu.memory_space<vmem_shared>> -> memref<10240x48xf32, #tpu.memory_space<vmem_shared>>
          tpu.wait_indirect_dma semaphore(%run_scoped3A_72 : memref<!tpu.dma_semaphore, #tpu.memory_space<semaphore_mem>>) src(%arg11 : memref<128x48xf32, #tpu.memory_space<vmem>>) dst(%dma_wait3A_84 : memref<10240x48xf32, #tpu.memory_space<vmem_shared>>)
          tpu.yield
        }) : () -> ()
      }
      %scan3A_31 = arith.constant 29 : i32
      %dma_wait3A = arith.constant 0 : i32
      %dma_wait3A_32 = arith.constant 0 : i32
      %dma_wait3A_33 = tpu.memref_slice %arg9[%dma_wait3A, %dma_wait3A_32] : memref<99x128xi32, #tpu.memory_space<vmem>> -> memref<1x128xi32, #tpu.memory_space<vmem>>
      %dma_wait3A_34 = tpu.memref_squeeze %dma_wait3A_33 : memref<1x128xi32, #tpu.memory_space<vmem>> -> memref<128xi32, #tpu.memory_space<vmem>>
      %dma_wait3A_35 = arith.constant 0 : i32
      %dma_wait3A_36 = arith.constant 0 : i32
      %dma_wait3A_37 = tpu.memref_slice %arg2[%dma_wait3A_35, %dma_wait3A_36] : memref<20480x48xf32, #tpu.memory_space<hbm>> -> memref<20480x48xf32, #tpu.memory_space<hbm>>
      tpu.wait_indirect_dma semaphore(%arg12 : memref<!tpu.dma_semaphore, #tpu.memory_space<semaphore_mem>>) src(%dma_wait3A_37 : memref<20480x48xf32, #tpu.memory_space<hbm>>) dst(%arg10 : memref<128x48xf32, #tpu.memory_space<vmem>>)
      %run_scoped3A = arith.constant 58 : i32
      "tpu.region"() ({
        %run_scoped3A_38 = tpu.sem_alloc : memref<!tpu.dma_semaphore, #tpu.memory_space<semaphore_mem>>
        %dma_start3A_39 = arith.constant 0 : i32
        %dma_start3A_40 = tpu.memref_slice %arg8[%run_scoped3A, %dma_start3A_39] : memref<99x128xi32, #tpu.memory_space<vmem>> -> memref<1x128xi32, #tpu.memory_space<vmem>>
        %dma_start3A_41 = tpu.memref_squeeze %dma_start3A_40 : memref<1x128xi32, #tpu.memory_space<vmem>> -> memref<128xi32, #tpu.memory_space<vmem>>
        %dma_start3A_42 = arith.constant 0 : i32
        %dma_start3A_43 = arith.constant 0 : i32
        %dma_start3A_44 = tpu.memref_slice %arg7[%dma_start3A_42, %dma_start3A_43] : memref<10240x48xf32, #tpu.memory_space<vmem_shared>> -> memref<10240x48xf32, #tpu.memory_space<vmem_shared>>
        tpu.enqueue_indirect_dma source(%arg10 : memref<128x48xf32, #tpu.memory_space<vmem>>) target(%dma_start3A_44 : memref<10240x48xf32, #tpu.memory_space<vmem_shared>>) offsets(%dma_start3A_41 : memref<128xi32, #tpu.memory_space<vmem>>) semaphore(%run_scoped3A_38 : memref<!tpu.dma_semaphore, #tpu.memory_space<semaphore_mem>>) {add = true}
        %dma_wait3A_45 = arith.constant 0 : i32
        %dma_wait3A_46 = tpu.memref_slice %arg8[%run_scoped3A, %dma_wait3A_45] : memref<99x128xi32, #tpu.memory_space<vmem>> -> memref<1x128xi32, #tpu.memory_space<vmem>>
        %dma_wait3A_47 = tpu.memref_squeeze %dma_wait3A_46 : memref<1x128xi32, #tpu.memory_space<vmem>> -> memref<128xi32, #tpu.memory_space<vmem>>
        %dma_wait3A_48 = arith.constant 0 : i32
        %dma_wait3A_49 = arith.constant 0 : i32
        %dma_wait3A_50 = tpu.memref_slice %arg7[%dma_wait3A_48, %dma_wait3A_49] : memref<10240x48xf32, #tpu.memory_space<vmem_shared>> -> memref<10240x48xf32, #tpu.memory_space<vmem_shared>>
        tpu.wait_indirect_dma semaphore(%run_scoped3A_38 : memref<!tpu.dma_semaphore, #tpu.memory_space<semaphore_mem>>) src(%arg10 : memref<128x48xf32, #tpu.memory_space<vmem>>) dst(%dma_wait3A_50 : memref<10240x48xf32, #tpu.memory_space<vmem_shared>>)
        tpu.yield
      }) : () -> ()
    } else {
    }
    %barrier3A_17 = arith.constant 0 : index
    tpu.barrier barrier_id(%barrier3A_17)
    %mul3A = arith.constant 640 : i32
    %mul3A_18 = arith.muli %arg1, %mul3A : i32
    %mul3A_19 = arith.constant 640 : i32
    %mul3A_20 = arith.muli %arg1, %mul3A_19 : i32
    "tpu.region"() ({
      %run_scoped3A = tpu.sem_alloc : memref<!tpu.dma_semaphore, #tpu.memory_space<semaphore_mem>>
      %dma_start3A = arith.constant 0 : i32
      %dma_start3A_21 = tpu.memref_slice %arg6[%arg0, %mul3A_20, %dma_start3A] : memref<2x10240x48xf32, #tpu.memory_space<hbm>> -> memref<1x640x48xf32, #tpu.memory_space<hbm>>
      %dma_start3A_22 = tpu.memref_squeeze %dma_start3A_21 : memref<1x640x48xf32, #tpu.memory_space<hbm>> -> memref<640x48xf32, #tpu.memory_space<hbm>>
      %dma_start3A_23 = arith.constant 0 : i32
      %dma_start3A_24 = tpu.memref_slice %arg7[%mul3A_18, %dma_start3A_23] : memref<10240x48xf32, #tpu.memory_space<vmem_shared>> -> memref<640x48xf32, #tpu.memory_space<vmem_shared>>
      tpu.enqueue_dma source(%dma_start3A_24 : memref<640x48xf32, #tpu.memory_space<vmem_shared>>) target(%dma_start3A_22 : memref<640x48xf32, #tpu.memory_space<hbm>>) target_semaphore(%run_scoped3A : memref<!tpu.dma_semaphore, #tpu.memory_space<semaphore_mem>>)
      %dma_wait3A = arith.constant 0 : i32
      %dma_wait3A_25 = tpu.memref_slice %arg6[%arg0, %mul3A_20, %dma_wait3A] : memref<2x10240x48xf32, #tpu.memory_space<hbm>> -> memref<1x640x48xf32, #tpu.memory_space<hbm>>
      %dma_wait3A_26 = tpu.memref_squeeze %dma_wait3A_25 : memref<1x640x48xf32, #tpu.memory_space<hbm>> -> memref<640x48xf32, #tpu.memory_space<hbm>>
      %dma_wait3A_27 = arith.constant 0 : i32
      %dma_wait3A_28 = tpu.memref_slice %arg7[%mul3A_18, %dma_wait3A_27] : memref<10240x48xf32, #tpu.memory_space<vmem_shared>> -> memref<640x48xf32, #tpu.memory_space<vmem_shared>>
      tpu.wait_dma2 semaphore(%run_scoped3A : memref<!tpu.dma_semaphore, #tpu.memory_space<semaphore_mem>>) src(%dma_wait3A_28 : memref<640x48xf32, #tpu.memory_space<vmem_shared>>) dst(%dma_wait3A_26 : memref<640x48xf32, #tpu.memory_space<hbm>>)
      tpu.yield
    }) : () -> ()
    return
  }
}

#map = affine_map<(d0, d1) -> (0, 0)>
#map1 = affine_map<(d0, d1) -> (0, 0, 0)>
module attributes {stable_mosaic.version = 14 : i64} {
  func.func @spmm(%arg0: i32, %arg1: i32, %arg2: memref<10240x96xf32, #tpu.memory_space<hbm>>, %arg3: memref<2528x128xi32, #tpu.memory_space<hbm>>, %arg4: memref<2528x128xi32, #tpu.memory_space<hbm>>, %arg5: memref<10240x96xf32, #tpu.memory_space<hbm>>, %arg6: memref<2x10240x96xf32, #tpu.memory_space<hbm>>, %arg7: memref<10240x96xf32, #tpu.memory_space<vmem_shared>>, %arg8: memref<97x128xi32, #tpu.memory_space<vmem>>, %arg9: memref<97x128xi32, #tpu.memory_space<vmem>>, %arg10: memref<128x96xf32, #tpu.memory_space<vmem>>, %arg11: memref<128x96xf32, #tpu.memory_space<vmem>>, %arg12: memref<!tpu.dma_semaphore, #tpu.memory_space<semaphore_mem>>, %arg13: memref<!tpu.dma_semaphore, #tpu.memory_space<semaphore_mem>>) attributes {dimension_semantics = [#tpu.dimension_semantics<core_parallel>, #tpu.dimension_semantics<subcore_parallel>], iteration_bounds = array<i64: 2, 16>, scalar_prefetch = 0 : i64, scratch_operands = 7 : i64, tpu.core_type = #tpu.core_type<sc_vector_subcore>, window_params = [{transform_indices = #map}, {transform_indices = #map}, {transform_indices = #map}, {transform_indices = #map}, {transform_indices = #map1}]} {
    %eq3A = arith.constant 0 : i32
    %eq3A_0 = arith.cmpi eq, %arg0, %eq3A : i32
    %convert_element_type3A = arith.extui %eq3A_0 : i1 to i32
    %cond3A = arith.constant 0 : i32
    %cond3A_1 = arith.cmpi ne, %convert_element_type3A, %cond3A : i32
    scf.if %cond3A_1 {
      %mul3A_21 = arith.constant 640 : i32
      %mul3A_22 = arith.muli %arg1, %mul3A_21 : i32
      %mul3A_23 = arith.constant 640 : i32
      %mul3A_24 = arith.muli %arg1, %mul3A_23 : i32
      "tpu.region"() ({
        %run_scoped3A = tpu.sem_alloc : memref<!tpu.dma_semaphore, #tpu.memory_space<semaphore_mem>>
        %dma_start3A = arith.constant 0 : i32
        %dma_start3A_32 = tpu.memref_slice %arg7[%mul3A_24, %dma_start3A] : memref<10240x96xf32, #tpu.memory_space<vmem_shared>> -> memref<640x96xf32, #tpu.memory_space<vmem_shared>>
        %dma_start3A_33 = arith.constant 0 : i32
        %dma_start3A_34 = tpu.memref_slice %arg5[%mul3A_22, %dma_start3A_33] : memref<10240x96xf32, #tpu.memory_space<hbm>> -> memref<640x96xf32, #tpu.memory_space<hbm>>
        tpu.enqueue_dma source(%dma_start3A_34 : memref<640x96xf32, #tpu.memory_space<hbm>>) target(%dma_start3A_32 : memref<640x96xf32, #tpu.memory_space<vmem_shared>>) target_semaphore(%run_scoped3A : memref<!tpu.dma_semaphore, #tpu.memory_space<semaphore_mem>>)
        %dma_wait3A = arith.constant 0 : i32
        %dma_wait3A_35 = tpu.memref_slice %arg7[%mul3A_24, %dma_wait3A] : memref<10240x96xf32, #tpu.memory_space<vmem_shared>> -> memref<640x96xf32, #tpu.memory_space<vmem_shared>>
        %dma_wait3A_36 = arith.constant 0 : i32
        %dma_wait3A_37 = tpu.memref_slice %arg5[%mul3A_22, %dma_wait3A_36] : memref<10240x96xf32, #tpu.memory_space<hbm>> -> memref<640x96xf32, #tpu.memory_space<hbm>>
        tpu.wait_dma2 semaphore(%run_scoped3A : memref<!tpu.dma_semaphore, #tpu.memory_space<semaphore_mem>>) src(%dma_wait3A_37 : memref<640x96xf32, #tpu.memory_space<hbm>>) dst(%dma_wait3A_35 : memref<640x96xf32, #tpu.memory_space<vmem_shared>>)
        tpu.yield
      }) : () -> ()
      %mul3A_25 = arith.constant 97 : i32
      %mul3A_26 = arith.muli %arg1, %mul3A_25 : i32
      %add3A = arith.constant 0 : i32
      %add3A_27 = arith.addi %add3A, %mul3A_26 : i32
      "tpu.region"() ({
        %run_scoped3A = tpu.sem_alloc : memref<!tpu.dma_semaphore, #tpu.memory_space<semaphore_mem>>
        %dma_start3A = arith.constant 0 : i32
        %dma_start3A_32 = arith.constant 0 : i32
        %dma_start3A_33 = tpu.memref_slice %arg8[%dma_start3A, %dma_start3A_32] : memref<97x128xi32, #tpu.memory_space<vmem>> -> memref<97x128xi32, #tpu.memory_space<vmem>>
        %dma_start3A_34 = arith.constant 0 : i32
        %dma_start3A_35 = tpu.memref_slice %arg3[%add3A_27, %dma_start3A_34] : memref<2528x128xi32, #tpu.memory_space<hbm>> -> memref<97x128xi32, #tpu.memory_space<hbm>>
        %dma_start3A_36 = arith.constant 0 : i32
        %dma_start3A_37 = arith.constant 0 : i32
        %dma_start3A_38 = tpu.memref_slice %arg8[%dma_start3A_36, %dma_start3A_37] : memref<97x128xi32, #tpu.memory_space<vmem>> -> memref<97x128xi32, #tpu.memory_space<vmem>>
        %dma_start3A_39 = arith.constant 0 : i32
        %dma_start3A_40 = tpu.memref_slice %arg3[%add3A_27, %dma_start3A_39] : memref<2528x128xi32, #tpu.memory_space<hbm>> -> memref<97x128xi32, #tpu.memory_space<hbm>>
        tpu.enqueue_dma source(%dma_start3A_40 : memref<97x128xi32, #tpu.memory_space<hbm>>) target(%dma_start3A_38 : memref<97x128xi32, #tpu.memory_space<vmem>>) target_semaphore(%run_scoped3A : memref<!tpu.dma_semaphore, #tpu.memory_space<semaphore_mem>>)
        %dma_wait3A = arith.constant 0 : i32
        %dma_wait3A_41 = arith.constant 0 : i32
        %dma_wait3A_42 = tpu.memref_slice %arg8[%dma_wait3A, %dma_wait3A_41] : memref<97x128xi32, #tpu.memory_space<vmem>> -> memref<97x128xi32, #tpu.memory_space<vmem>>
        %dma_wait3A_43 = arith.constant 0 : i32
        %dma_wait3A_44 = tpu.memref_slice %arg3[%add3A_27, %dma_wait3A_43] : memref<2528x128xi32, #tpu.memory_space<hbm>> -> memref<97x128xi32, #tpu.memory_space<hbm>>
        %dma_wait3A_45 = arith.constant 0 : i32
        %dma_wait3A_46 = arith.constant 0 : i32
        %dma_wait3A_47 = tpu.memref_slice %arg8[%dma_wait3A_45, %dma_wait3A_46] : memref<97x128xi32, #tpu.memory_space<vmem>> -> memref<97x128xi32, #tpu.memory_space<vmem>>
        %dma_wait3A_48 = arith.constant 0 : i32
        %dma_wait3A_49 = tpu.memref_slice %arg3[%add3A_27, %dma_wait3A_48] : memref<2528x128xi32, #tpu.memory_space<hbm>> -> memref<97x128xi32, #tpu.memory_space<hbm>>
        tpu.wait_dma2 semaphore(%run_scoped3A : memref<!tpu.dma_semaphore, #tpu.memory_space<semaphore_mem>>) src(%dma_wait3A_49 : memref<97x128xi32, #tpu.memory_space<hbm>>) dst(%dma_wait3A_47 : memref<97x128xi32, #tpu.memory_space<vmem>>)
        tpu.yield
      }) : () -> ()
      %mul3A_28 = arith.constant 97 : i32
      %mul3A_29 = arith.muli %arg1, %mul3A_28 : i32
      %add3A_30 = arith.constant 0 : i32
      %add3A_31 = arith.addi %add3A_30, %mul3A_29 : i32
      "tpu.region"() ({
        %run_scoped3A = tpu.sem_alloc : memref<!tpu.dma_semaphore, #tpu.memory_space<semaphore_mem>>
        %dma_start3A = arith.constant 0 : i32
        %dma_start3A_32 = arith.constant 0 : i32
        %dma_start3A_33 = tpu.memref_slice %arg9[%dma_start3A, %dma_start3A_32] : memref<97x128xi32, #tpu.memory_space<vmem>> -> memref<97x128xi32, #tpu.memory_space<vmem>>
        %dma_start3A_34 = arith.constant 0 : i32
        %dma_start3A_35 = tpu.memref_slice %arg4[%add3A_31, %dma_start3A_34] : memref<2528x128xi32, #tpu.memory_space<hbm>> -> memref<97x128xi32, #tpu.memory_space<hbm>>
        %dma_start3A_36 = arith.constant 0 : i32
        %dma_start3A_37 = arith.constant 0 : i32
        %dma_start3A_38 = tpu.memref_slice %arg9[%dma_start3A_36, %dma_start3A_37] : memref<97x128xi32, #tpu.memory_space<vmem>> -> memref<97x128xi32, #tpu.memory_space<vmem>>
        %dma_start3A_39 = arith.constant 0 : i32
        %dma_start3A_40 = tpu.memref_slice %arg4[%add3A_31, %dma_start3A_39] : memref<2528x128xi32, #tpu.memory_space<hbm>> -> memref<97x128xi32, #tpu.memory_space<hbm>>
        tpu.enqueue_dma source(%dma_start3A_40 : memref<97x128xi32, #tpu.memory_space<hbm>>) target(%dma_start3A_38 : memref<97x128xi32, #tpu.memory_space<vmem>>) target_semaphore(%run_scoped3A : memref<!tpu.dma_semaphore, #tpu.memory_space<semaphore_mem>>)
        %dma_wait3A = arith.constant 0 : i32
        %dma_wait3A_41 = arith.constant 0 : i32
        %dma_wait3A_42 = tpu.memref_slice %arg9[%dma_wait3A, %dma_wait3A_41] : memref<97x128xi32, #tpu.memory_space<vmem>> -> memref<97x128xi32, #tpu.memory_space<vmem>>
        %dma_wait3A_43 = arith.constant 0 : i32
        %dma_wait3A_44 = tpu.memref_slice %arg4[%add3A_31, %dma_wait3A_43] : memref<2528x128xi32, #tpu.memory_space<hbm>> -> memref<97x128xi32, #tpu.memory_space<hbm>>
        %dma_wait3A_45 = arith.constant 0 : i32
        %dma_wait3A_46 = arith.constant 0 : i32
        %dma_wait3A_47 = tpu.memref_slice %arg9[%dma_wait3A_45, %dma_wait3A_46] : memref<97x128xi32, #tpu.memory_space<vmem>> -> memref<97x128xi32, #tpu.memory_space<vmem>>
        %dma_wait3A_48 = arith.constant 0 : i32
        %dma_wait3A_49 = tpu.memref_slice %arg4[%add3A_31, %dma_wait3A_48] : memref<2528x128xi32, #tpu.memory_space<hbm>> -> memref<97x128xi32, #tpu.memory_space<hbm>>
        tpu.wait_dma2 semaphore(%run_scoped3A : memref<!tpu.dma_semaphore, #tpu.memory_space<semaphore_mem>>) src(%dma_wait3A_49 : memref<97x128xi32, #tpu.memory_space<hbm>>) dst(%dma_wait3A_47 : memref<97x128xi32, #tpu.memory_space<vmem>>)
        tpu.yield
      }) : () -> ()
    } else {
    }
    %eq3A_2 = arith.constant 1 : i32
    %eq3A_3 = arith.cmpi eq, %arg0, %eq3A_2 : i32
    %convert_element_type3A_4 = arith.extui %eq3A_3 : i1 to i32
    %cond3A_5 = arith.constant 0 : i32
    %cond3A_6 = arith.cmpi ne, %convert_element_type3A_4, %cond3A_5 : i32
    scf.if %cond3A_6 {
      %mul3A_21 = arith.constant 640 : i32
      %mul3A_22 = arith.muli %arg1, %mul3A_21 : i32
      %mul3A_23 = arith.constant 640 : i32
      %mul3A_24 = arith.muli %arg1, %mul3A_23 : i32
      "tpu.region"() ({
        %run_scoped3A = tpu.sem_alloc : memref<!tpu.dma_semaphore, #tpu.memory_space<semaphore_mem>>
        %dma_start3A = arith.constant 0 : i32
        %dma_start3A_32 = tpu.memref_slice %arg7[%mul3A_24, %dma_start3A] : memref<10240x96xf32, #tpu.memory_space<vmem_shared>> -> memref<640x96xf32, #tpu.memory_space<vmem_shared>>
        %dma_start3A_33 = arith.constant 0 : i32
        %dma_start3A_34 = tpu.memref_slice %arg5[%mul3A_22, %dma_start3A_33] : memref<10240x96xf32, #tpu.memory_space<hbm>> -> memref<640x96xf32, #tpu.memory_space<hbm>>
        tpu.enqueue_dma source(%dma_start3A_34 : memref<640x96xf32, #tpu.memory_space<hbm>>) target(%dma_start3A_32 : memref<640x96xf32, #tpu.memory_space<vmem_shared>>) target_semaphore(%run_scoped3A : memref<!tpu.dma_semaphore, #tpu.memory_space<semaphore_mem>>)
        %dma_wait3A = arith.constant 0 : i32
        %dma_wait3A_35 = tpu.memref_slice %arg7[%mul3A_24, %dma_wait3A] : memref<10240x96xf32, #tpu.memory_space<vmem_shared>> -> memref<640x96xf32, #tpu.memory_space<vmem_shared>>
        %dma_wait3A_36 = arith.constant 0 : i32
        %dma_wait3A_37 = tpu.memref_slice %arg5[%mul3A_22, %dma_wait3A_36] : memref<10240x96xf32, #tpu.memory_space<hbm>> -> memref<640x96xf32, #tpu.memory_space<hbm>>
        tpu.wait_dma2 semaphore(%run_scoped3A : memref<!tpu.dma_semaphore, #tpu.memory_space<semaphore_mem>>) src(%dma_wait3A_37 : memref<640x96xf32, #tpu.memory_space<hbm>>) dst(%dma_wait3A_35 : memref<640x96xf32, #tpu.memory_space<vmem_shared>>)
        tpu.yield
      }) : () -> ()
      %mul3A_25 = arith.constant 61 : i32
      %mul3A_26 = arith.muli %arg1, %mul3A_25 : i32
      %add3A = arith.constant 1552 : i32
      %add3A_27 = arith.addi %add3A, %mul3A_26 : i32
      "tpu.region"() ({
        %run_scoped3A = tpu.sem_alloc : memref<!tpu.dma_semaphore, #tpu.memory_space<semaphore_mem>>
        %dma_start3A = arith.constant 0 : i32
        %dma_start3A_32 = arith.constant 0 : i32
        %dma_start3A_33 = tpu.memref_slice %arg8[%dma_start3A, %dma_start3A_32] : memref<97x128xi32, #tpu.memory_space<vmem>> -> memref<61x128xi32, #tpu.memory_space<vmem>>
        %dma_start3A_34 = arith.constant 0 : i32
        %dma_start3A_35 = tpu.memref_slice %arg3[%add3A_27, %dma_start3A_34] : memref<2528x128xi32, #tpu.memory_space<hbm>> -> memref<61x128xi32, #tpu.memory_space<hbm>>
        %dma_start3A_36 = arith.constant 0 : i32
        %dma_start3A_37 = arith.constant 0 : i32
        %dma_start3A_38 = tpu.memref_slice %arg8[%dma_start3A_36, %dma_start3A_37] : memref<97x128xi32, #tpu.memory_space<vmem>> -> memref<61x128xi32, #tpu.memory_space<vmem>>
        %dma_start3A_39 = arith.constant 0 : i32
        %dma_start3A_40 = tpu.memref_slice %arg3[%add3A_27, %dma_start3A_39] : memref<2528x128xi32, #tpu.memory_space<hbm>> -> memref<61x128xi32, #tpu.memory_space<hbm>>
        tpu.enqueue_dma source(%dma_start3A_40 : memref<61x128xi32, #tpu.memory_space<hbm>>) target(%dma_start3A_38 : memref<61x128xi32, #tpu.memory_space<vmem>>) target_semaphore(%run_scoped3A : memref<!tpu.dma_semaphore, #tpu.memory_space<semaphore_mem>>)
        %dma_wait3A = arith.constant 0 : i32
        %dma_wait3A_41 = arith.constant 0 : i32
        %dma_wait3A_42 = tpu.memref_slice %arg8[%dma_wait3A, %dma_wait3A_41] : memref<97x128xi32, #tpu.memory_space<vmem>> -> memref<61x128xi32, #tpu.memory_space<vmem>>
        %dma_wait3A_43 = arith.constant 0 : i32
        %dma_wait3A_44 = tpu.memref_slice %arg3[%add3A_27, %dma_wait3A_43] : memref<2528x128xi32, #tpu.memory_space<hbm>> -> memref<61x128xi32, #tpu.memory_space<hbm>>
        %dma_wait3A_45 = arith.constant 0 : i32
        %dma_wait3A_46 = arith.constant 0 : i32
        %dma_wait3A_47 = tpu.memref_slice %arg8[%dma_wait3A_45, %dma_wait3A_46] : memref<97x128xi32, #tpu.memory_space<vmem>> -> memref<61x128xi32, #tpu.memory_space<vmem>>
        %dma_wait3A_48 = arith.constant 0 : i32
        %dma_wait3A_49 = tpu.memref_slice %arg3[%add3A_27, %dma_wait3A_48] : memref<2528x128xi32, #tpu.memory_space<hbm>> -> memref<61x128xi32, #tpu.memory_space<hbm>>
        tpu.wait_dma2 semaphore(%run_scoped3A : memref<!tpu.dma_semaphore, #tpu.memory_space<semaphore_mem>>) src(%dma_wait3A_49 : memref<61x128xi32, #tpu.memory_space<hbm>>) dst(%dma_wait3A_47 : memref<61x128xi32, #tpu.memory_space<vmem>>)
        tpu.yield
      }) : () -> ()
      %mul3A_28 = arith.constant 61 : i32
      %mul3A_29 = arith.muli %arg1, %mul3A_28 : i32
      %add3A_30 = arith.constant 1552 : i32
      %add3A_31 = arith.addi %add3A_30, %mul3A_29 : i32
      "tpu.region"() ({
        %run_scoped3A = tpu.sem_alloc : memref<!tpu.dma_semaphore, #tpu.memory_space<semaphore_mem>>
        %dma_start3A = arith.constant 0 : i32
        %dma_start3A_32 = arith.constant 0 : i32
        %dma_start3A_33 = tpu.memref_slice %arg9[%dma_start3A, %dma_start3A_32] : memref<97x128xi32, #tpu.memory_space<vmem>> -> memref<61x128xi32, #tpu.memory_space<vmem>>
        %dma_start3A_34 = arith.constant 0 : i32
        %dma_start3A_35 = tpu.memref_slice %arg4[%add3A_31, %dma_start3A_34] : memref<2528x128xi32, #tpu.memory_space<hbm>> -> memref<61x128xi32, #tpu.memory_space<hbm>>
        %dma_start3A_36 = arith.constant 0 : i32
        %dma_start3A_37 = arith.constant 0 : i32
        %dma_start3A_38 = tpu.memref_slice %arg9[%dma_start3A_36, %dma_start3A_37] : memref<97x128xi32, #tpu.memory_space<vmem>> -> memref<61x128xi32, #tpu.memory_space<vmem>>
        %dma_start3A_39 = arith.constant 0 : i32
        %dma_start3A_40 = tpu.memref_slice %arg4[%add3A_31, %dma_start3A_39] : memref<2528x128xi32, #tpu.memory_space<hbm>> -> memref<61x128xi32, #tpu.memory_space<hbm>>
        tpu.enqueue_dma source(%dma_start3A_40 : memref<61x128xi32, #tpu.memory_space<hbm>>) target(%dma_start3A_38 : memref<61x128xi32, #tpu.memory_space<vmem>>) target_semaphore(%run_scoped3A : memref<!tpu.dma_semaphore, #tpu.memory_space<semaphore_mem>>)
        %dma_wait3A = arith.constant 0 : i32
        %dma_wait3A_41 = arith.constant 0 : i32
        %dma_wait3A_42 = tpu.memref_slice %arg9[%dma_wait3A, %dma_wait3A_41] : memref<97x128xi32, #tpu.memory_space<vmem>> -> memref<61x128xi32, #tpu.memory_space<vmem>>
        %dma_wait3A_43 = arith.constant 0 : i32
        %dma_wait3A_44 = tpu.memref_slice %arg4[%add3A_31, %dma_wait3A_43] : memref<2528x128xi32, #tpu.memory_space<hbm>> -> memref<61x128xi32, #tpu.memory_space<hbm>>
        %dma_wait3A_45 = arith.constant 0 : i32
        %dma_wait3A_46 = arith.constant 0 : i32
        %dma_wait3A_47 = tpu.memref_slice %arg9[%dma_wait3A_45, %dma_wait3A_46] : memref<97x128xi32, #tpu.memory_space<vmem>> -> memref<61x128xi32, #tpu.memory_space<vmem>>
        %dma_wait3A_48 = arith.constant 0 : i32
        %dma_wait3A_49 = tpu.memref_slice %arg4[%add3A_31, %dma_wait3A_48] : memref<2528x128xi32, #tpu.memory_space<hbm>> -> memref<61x128xi32, #tpu.memory_space<hbm>>
        tpu.wait_dma2 semaphore(%run_scoped3A : memref<!tpu.dma_semaphore, #tpu.memory_space<semaphore_mem>>) src(%dma_wait3A_49 : memref<61x128xi32, #tpu.memory_space<hbm>>) dst(%dma_wait3A_47 : memref<61x128xi32, #tpu.memory_space<vmem>>)
        tpu.yield
      }) : () -> ()
    } else {
    }
    %barrier3A = arith.constant 0 : index
    tpu.barrier barrier_id(%barrier3A)
    %eq3A_7 = arith.constant 0 : i32
    %eq3A_8 = arith.cmpi eq, %arg0, %eq3A_7 : i32
    %convert_element_type3A_9 = arith.extui %eq3A_8 : i1 to i32
    %cond3A_10 = arith.constant 0 : i32
    %cond3A_11 = arith.cmpi ne, %convert_element_type3A_9, %cond3A_10 : i32
    scf.if %cond3A_11 {
      %dma_start3A = arith.constant 0 : i32
      %dma_start3A_21 = arith.constant 0 : i32
      %dma_start3A_22 = tpu.memref_slice %arg9[%dma_start3A, %dma_start3A_21] : memref<97x128xi32, #tpu.memory_space<vmem>> -> memref<1x128xi32, #tpu.memory_space<vmem>>
      %dma_start3A_23 = tpu.memref_squeeze %dma_start3A_22 : memref<1x128xi32, #tpu.memory_space<vmem>> -> memref<128xi32, #tpu.memory_space<vmem>>
      %dma_start3A_24 = arith.constant 0 : i32
      %dma_start3A_25 = arith.constant 0 : i32
      %dma_start3A_26 = tpu.memref_slice %arg2[%dma_start3A_24, %dma_start3A_25] : memref<10240x96xf32, #tpu.memory_space<hbm>> -> memref<10240x96xf32, #tpu.memory_space<hbm>>
      tpu.enqueue_indirect_dma source(%dma_start3A_26 : memref<10240x96xf32, #tpu.memory_space<hbm>>) target(%arg10 : memref<128x96xf32, #tpu.memory_space<vmem>>) offsets(%dma_start3A_23 : memref<128xi32, #tpu.memory_space<vmem>>) semaphore(%arg12 : memref<!tpu.dma_semaphore, #tpu.memory_space<semaphore_mem>>)
      %scan3A = arith.constant 0 : i32
      %scan3A_27 = arith.constant 0 : i32
      %scan3A_28 = arith.constant 48 : i32
      %scan3A_29 = arith.addi %scan3A_27, %scan3A_28 : i32
      %scan3A_30 = arith.constant 1 : i32
      scf.for %scan3A_38 = %scan3A_27 to %scan3A_29 step %scan3A_30  : i32 {
        %mul3A_39 = arith.constant 2 : i32
        %mul3A_40 = arith.muli %mul3A_39, %scan3A_38 : i32
        %add3A = arith.constant 1 : i32
        %add3A_41 = arith.addi %mul3A_40, %add3A : i32
        %dma_start3A_42 = arith.constant 0 : i32
        %dma_start3A_43 = tpu.memref_slice %arg9[%add3A_41, %dma_start3A_42] : memref<97x128xi32, #tpu.memory_space<vmem>> -> memref<1x128xi32, #tpu.memory_space<vmem>>
        %dma_start3A_44 = tpu.memref_squeeze %dma_start3A_43 : memref<1x128xi32, #tpu.memory_space<vmem>> -> memref<128xi32, #tpu.memory_space<vmem>>
        %dma_start3A_45 = arith.constant 0 : i32
        %dma_start3A_46 = arith.constant 0 : i32
        %dma_start3A_47 = tpu.memref_slice %arg2[%dma_start3A_45, %dma_start3A_46] : memref<10240x96xf32, #tpu.memory_space<hbm>> -> memref<10240x96xf32, #tpu.memory_space<hbm>>
        tpu.enqueue_indirect_dma source(%dma_start3A_47 : memref<10240x96xf32, #tpu.memory_space<hbm>>) target(%arg11 : memref<128x96xf32, #tpu.memory_space<vmem>>) offsets(%dma_start3A_44 : memref<128xi32, #tpu.memory_space<vmem>>) semaphore(%arg13 : memref<!tpu.dma_semaphore, #tpu.memory_space<semaphore_mem>>)
        %dma_wait3A_48 = arith.constant 0 : i32
        %dma_wait3A_49 = arith.constant 0 : i32
        %dma_wait3A_50 = tpu.memref_slice %arg9[%dma_wait3A_48, %dma_wait3A_49] : memref<97x128xi32, #tpu.memory_space<vmem>> -> memref<1x128xi32, #tpu.memory_space<vmem>>
        %dma_wait3A_51 = tpu.memref_squeeze %dma_wait3A_50 : memref<1x128xi32, #tpu.memory_space<vmem>> -> memref<128xi32, #tpu.memory_space<vmem>>
        %dma_wait3A_52 = arith.constant 0 : i32
        %dma_wait3A_53 = arith.constant 0 : i32
        %dma_wait3A_54 = tpu.memref_slice %arg2[%dma_wait3A_52, %dma_wait3A_53] : memref<10240x96xf32, #tpu.memory_space<hbm>> -> memref<10240x96xf32, #tpu.memory_space<hbm>>
        tpu.wait_indirect_dma semaphore(%arg12 : memref<!tpu.dma_semaphore, #tpu.memory_space<semaphore_mem>>) src(%dma_wait3A_54 : memref<10240x96xf32, #tpu.memory_space<hbm>>) dst(%arg10 : memref<128x96xf32, #tpu.memory_space<vmem>>)
        "tpu.region"() ({
          %run_scoped3A_72 = tpu.sem_alloc : memref<!tpu.dma_semaphore, #tpu.memory_space<semaphore_mem>>
          %dma_start3A_73 = arith.constant 0 : i32
          %dma_start3A_74 = tpu.memref_slice %arg8[%mul3A_40, %dma_start3A_73] : memref<97x128xi32, #tpu.memory_space<vmem>> -> memref<1x128xi32, #tpu.memory_space<vmem>>
          %dma_start3A_75 = tpu.memref_squeeze %dma_start3A_74 : memref<1x128xi32, #tpu.memory_space<vmem>> -> memref<128xi32, #tpu.memory_space<vmem>>
          %dma_start3A_76 = arith.constant 0 : i32
          %dma_start3A_77 = arith.constant 0 : i32
          %dma_start3A_78 = tpu.memref_slice %arg7[%dma_start3A_76, %dma_start3A_77] : memref<10240x96xf32, #tpu.memory_space<vmem_shared>> -> memref<10240x96xf32, #tpu.memory_space<vmem_shared>>
          tpu.enqueue_indirect_dma source(%arg10 : memref<128x96xf32, #tpu.memory_space<vmem>>) target(%dma_start3A_78 : memref<10240x96xf32, #tpu.memory_space<vmem_shared>>) offsets(%dma_start3A_75 : memref<128xi32, #tpu.memory_space<vmem>>) semaphore(%run_scoped3A_72 : memref<!tpu.dma_semaphore, #tpu.memory_space<semaphore_mem>>) {add = true}
          %dma_wait3A_79 = arith.constant 0 : i32
          %dma_wait3A_80 = tpu.memref_slice %arg8[%mul3A_40, %dma_wait3A_79] : memref<97x128xi32, #tpu.memory_space<vmem>> -> memref<1x128xi32, #tpu.memory_space<vmem>>
          %dma_wait3A_81 = tpu.memref_squeeze %dma_wait3A_80 : memref<1x128xi32, #tpu.memory_space<vmem>> -> memref<128xi32, #tpu.memory_space<vmem>>
          %dma_wait3A_82 = arith.constant 0 : i32
          %dma_wait3A_83 = arith.constant 0 : i32
          %dma_wait3A_84 = tpu.memref_slice %arg7[%dma_wait3A_82, %dma_wait3A_83] : memref<10240x96xf32, #tpu.memory_space<vmem_shared>> -> memref<10240x96xf32, #tpu.memory_space<vmem_shared>>
          tpu.wait_indirect_dma semaphore(%run_scoped3A_72 : memref<!tpu.dma_semaphore, #tpu.memory_space<semaphore_mem>>) src(%arg10 : memref<128x96xf32, #tpu.memory_space<vmem>>) dst(%dma_wait3A_84 : memref<10240x96xf32, #tpu.memory_space<vmem_shared>>)
          tpu.yield
        }) : () -> ()
        %add3A_55 = arith.constant 2 : i32
        %add3A_56 = arith.addi %mul3A_40, %add3A_55 : i32
        %dma_start3A_57 = arith.constant 0 : i32
        %dma_start3A_58 = tpu.memref_slice %arg9[%add3A_56, %dma_start3A_57] : memref<97x128xi32, #tpu.memory_space<vmem>> -> memref<1x128xi32, #tpu.memory_space<vmem>>
        %dma_start3A_59 = tpu.memref_squeeze %dma_start3A_58 : memref<1x128xi32, #tpu.memory_space<vmem>> -> memref<128xi32, #tpu.memory_space<vmem>>
        %dma_start3A_60 = arith.constant 0 : i32
        %dma_start3A_61 = arith.constant 0 : i32
        %dma_start3A_62 = tpu.memref_slice %arg2[%dma_start3A_60, %dma_start3A_61] : memref<10240x96xf32, #tpu.memory_space<hbm>> -> memref<10240x96xf32, #tpu.memory_space<hbm>>
        tpu.enqueue_indirect_dma source(%dma_start3A_62 : memref<10240x96xf32, #tpu.memory_space<hbm>>) target(%arg10 : memref<128x96xf32, #tpu.memory_space<vmem>>) offsets(%dma_start3A_59 : memref<128xi32, #tpu.memory_space<vmem>>) semaphore(%arg12 : memref<!tpu.dma_semaphore, #tpu.memory_space<semaphore_mem>>)
        %dma_wait3A_63 = arith.constant 0 : i32
        %dma_wait3A_64 = arith.constant 0 : i32
        %dma_wait3A_65 = tpu.memref_slice %arg9[%dma_wait3A_63, %dma_wait3A_64] : memref<97x128xi32, #tpu.memory_space<vmem>> -> memref<1x128xi32, #tpu.memory_space<vmem>>
        %dma_wait3A_66 = tpu.memref_squeeze %dma_wait3A_65 : memref<1x128xi32, #tpu.memory_space<vmem>> -> memref<128xi32, #tpu.memory_space<vmem>>
        %dma_wait3A_67 = arith.constant 0 : i32
        %dma_wait3A_68 = arith.constant 0 : i32
        %dma_wait3A_69 = tpu.memref_slice %arg2[%dma_wait3A_67, %dma_wait3A_68] : memref<10240x96xf32, #tpu.memory_space<hbm>> -> memref<10240x96xf32, #tpu.memory_space<hbm>>
        tpu.wait_indirect_dma semaphore(%arg13 : memref<!tpu.dma_semaphore, #tpu.memory_space<semaphore_mem>>) src(%dma_wait3A_69 : memref<10240x96xf32, #tpu.memory_space<hbm>>) dst(%arg11 : memref<128x96xf32, #tpu.memory_space<vmem>>)
        %add3A_70 = arith.constant 1 : i32
        %add3A_71 = arith.addi %mul3A_40, %add3A_70 : i32
        "tpu.region"() ({
          %run_scoped3A_72 = tpu.sem_alloc : memref<!tpu.dma_semaphore, #tpu.memory_space<semaphore_mem>>
          %dma_start3A_73 = arith.constant 0 : i32
          %dma_start3A_74 = tpu.memref_slice %arg8[%add3A_71, %dma_start3A_73] : memref<97x128xi32, #tpu.memory_space<vmem>> -> memref<1x128xi32, #tpu.memory_space<vmem>>
          %dma_start3A_75 = tpu.memref_squeeze %dma_start3A_74 : memref<1x128xi32, #tpu.memory_space<vmem>> -> memref<128xi32, #tpu.memory_space<vmem>>
          %dma_start3A_76 = arith.constant 0 : i32
          %dma_start3A_77 = arith.constant 0 : i32
          %dma_start3A_78 = tpu.memref_slice %arg7[%dma_start3A_76, %dma_start3A_77] : memref<10240x96xf32, #tpu.memory_space<vmem_shared>> -> memref<10240x96xf32, #tpu.memory_space<vmem_shared>>
          tpu.enqueue_indirect_dma source(%arg11 : memref<128x96xf32, #tpu.memory_space<vmem>>) target(%dma_start3A_78 : memref<10240x96xf32, #tpu.memory_space<vmem_shared>>) offsets(%dma_start3A_75 : memref<128xi32, #tpu.memory_space<vmem>>) semaphore(%run_scoped3A_72 : memref<!tpu.dma_semaphore, #tpu.memory_space<semaphore_mem>>) {add = true}
          %dma_wait3A_79 = arith.constant 0 : i32
          %dma_wait3A_80 = tpu.memref_slice %arg8[%add3A_71, %dma_wait3A_79] : memref<97x128xi32, #tpu.memory_space<vmem>> -> memref<1x128xi32, #tpu.memory_space<vmem>>
          %dma_wait3A_81 = tpu.memref_squeeze %dma_wait3A_80 : memref<1x128xi32, #tpu.memory_space<vmem>> -> memref<128xi32, #tpu.memory_space<vmem>>
          %dma_wait3A_82 = arith.constant 0 : i32
          %dma_wait3A_83 = arith.constant 0 : i32
          %dma_wait3A_84 = tpu.memref_slice %arg7[%dma_wait3A_82, %dma_wait3A_83] : memref<10240x96xf32, #tpu.memory_space<vmem_shared>> -> memref<10240x96xf32, #tpu.memory_space<vmem_shared>>
          tpu.wait_indirect_dma semaphore(%run_scoped3A_72 : memref<!tpu.dma_semaphore, #tpu.memory_space<semaphore_mem>>) src(%arg11 : memref<128x96xf32, #tpu.memory_space<vmem>>) dst(%dma_wait3A_84 : memref<10240x96xf32, #tpu.memory_space<vmem_shared>>)
          tpu.yield
        }) : () -> ()
      }
      %scan3A_31 = arith.constant 48 : i32
      %dma_wait3A = arith.constant 0 : i32
      %dma_wait3A_32 = arith.constant 0 : i32
      %dma_wait3A_33 = tpu.memref_slice %arg9[%dma_wait3A, %dma_wait3A_32] : memref<97x128xi32, #tpu.memory_space<vmem>> -> memref<1x128xi32, #tpu.memory_space<vmem>>
      %dma_wait3A_34 = tpu.memref_squeeze %dma_wait3A_33 : memref<1x128xi32, #tpu.memory_space<vmem>> -> memref<128xi32, #tpu.memory_space<vmem>>
      %dma_wait3A_35 = arith.constant 0 : i32
      %dma_wait3A_36 = arith.constant 0 : i32
      %dma_wait3A_37 = tpu.memref_slice %arg2[%dma_wait3A_35, %dma_wait3A_36] : memref<10240x96xf32, #tpu.memory_space<hbm>> -> memref<10240x96xf32, #tpu.memory_space<hbm>>
      tpu.wait_indirect_dma semaphore(%arg12 : memref<!tpu.dma_semaphore, #tpu.memory_space<semaphore_mem>>) src(%dma_wait3A_37 : memref<10240x96xf32, #tpu.memory_space<hbm>>) dst(%arg10 : memref<128x96xf32, #tpu.memory_space<vmem>>)
      %run_scoped3A = arith.constant 96 : i32
      "tpu.region"() ({
        %run_scoped3A_38 = tpu.sem_alloc : memref<!tpu.dma_semaphore, #tpu.memory_space<semaphore_mem>>
        %dma_start3A_39 = arith.constant 0 : i32
        %dma_start3A_40 = tpu.memref_slice %arg8[%run_scoped3A, %dma_start3A_39] : memref<97x128xi32, #tpu.memory_space<vmem>> -> memref<1x128xi32, #tpu.memory_space<vmem>>
        %dma_start3A_41 = tpu.memref_squeeze %dma_start3A_40 : memref<1x128xi32, #tpu.memory_space<vmem>> -> memref<128xi32, #tpu.memory_space<vmem>>
        %dma_start3A_42 = arith.constant 0 : i32
        %dma_start3A_43 = arith.constant 0 : i32
        %dma_start3A_44 = tpu.memref_slice %arg7[%dma_start3A_42, %dma_start3A_43] : memref<10240x96xf32, #tpu.memory_space<vmem_shared>> -> memref<10240x96xf32, #tpu.memory_space<vmem_shared>>
        tpu.enqueue_indirect_dma source(%arg10 : memref<128x96xf32, #tpu.memory_space<vmem>>) target(%dma_start3A_44 : memref<10240x96xf32, #tpu.memory_space<vmem_shared>>) offsets(%dma_start3A_41 : memref<128xi32, #tpu.memory_space<vmem>>) semaphore(%run_scoped3A_38 : memref<!tpu.dma_semaphore, #tpu.memory_space<semaphore_mem>>) {add = true}
        %dma_wait3A_45 = arith.constant 0 : i32
        %dma_wait3A_46 = tpu.memref_slice %arg8[%run_scoped3A, %dma_wait3A_45] : memref<97x128xi32, #tpu.memory_space<vmem>> -> memref<1x128xi32, #tpu.memory_space<vmem>>
        %dma_wait3A_47 = tpu.memref_squeeze %dma_wait3A_46 : memref<1x128xi32, #tpu.memory_space<vmem>> -> memref<128xi32, #tpu.memory_space<vmem>>
        %dma_wait3A_48 = arith.constant 0 : i32
        %dma_wait3A_49 = arith.constant 0 : i32
        %dma_wait3A_50 = tpu.memref_slice %arg7[%dma_wait3A_48, %dma_wait3A_49] : memref<10240x96xf32, #tpu.memory_space<vmem_shared>> -> memref<10240x96xf32, #tpu.memory_space<vmem_shared>>
        tpu.wait_indirect_dma semaphore(%run_scoped3A_38 : memref<!tpu.dma_semaphore, #tpu.memory_space<semaphore_mem>>) src(%arg10 : memref<128x96xf32, #tpu.memory_space<vmem>>) dst(%dma_wait3A_50 : memref<10240x96xf32, #tpu.memory_space<vmem_shared>>)
        tpu.yield
      }) : () -> ()
    } else {
    }
    %eq3A_12 = arith.constant 1 : i32
    %eq3A_13 = arith.cmpi eq, %arg0, %eq3A_12 : i32
    %convert_element_type3A_14 = arith.extui %eq3A_13 : i1 to i32
    %cond3A_15 = arith.constant 0 : i32
    %cond3A_16 = arith.cmpi ne, %convert_element_type3A_14, %cond3A_15 : i32
    scf.if %cond3A_16 {
      %dma_start3A = arith.constant 0 : i32
      %dma_start3A_21 = arith.constant 0 : i32
      %dma_start3A_22 = tpu.memref_slice %arg9[%dma_start3A, %dma_start3A_21] : memref<97x128xi32, #tpu.memory_space<vmem>> -> memref<1x128xi32, #tpu.memory_space<vmem>>
      %dma_start3A_23 = tpu.memref_squeeze %dma_start3A_22 : memref<1x128xi32, #tpu.memory_space<vmem>> -> memref<128xi32, #tpu.memory_space<vmem>>
      %dma_start3A_24 = arith.constant 0 : i32
      %dma_start3A_25 = arith.constant 0 : i32
      %dma_start3A_26 = tpu.memref_slice %arg2[%dma_start3A_24, %dma_start3A_25] : memref<10240x96xf32, #tpu.memory_space<hbm>> -> memref<10240x96xf32, #tpu.memory_space<hbm>>
      tpu.enqueue_indirect_dma source(%dma_start3A_26 : memref<10240x96xf32, #tpu.memory_space<hbm>>) target(%arg10 : memref<128x96xf32, #tpu.memory_space<vmem>>) offsets(%dma_start3A_23 : memref<128xi32, #tpu.memory_space<vmem>>) semaphore(%arg12 : memref<!tpu.dma_semaphore, #tpu.memory_space<semaphore_mem>>)
      %scan3A = arith.constant 0 : i32
      %scan3A_27 = arith.constant 0 : i32
      %scan3A_28 = arith.constant 30 : i32
      %scan3A_29 = arith.addi %scan3A_27, %scan3A_28 : i32
      %scan3A_30 = arith.constant 1 : i32
      scf.for %scan3A_38 = %scan3A_27 to %scan3A_29 step %scan3A_30  : i32 {
        %mul3A_39 = arith.constant 2 : i32
        %mul3A_40 = arith.muli %mul3A_39, %scan3A_38 : i32
        %add3A = arith.constant 1 : i32
        %add3A_41 = arith.addi %mul3A_40, %add3A : i32
        %dma_start3A_42 = arith.constant 0 : i32
        %dma_start3A_43 = tpu.memref_slice %arg9[%add3A_41, %dma_start3A_42] : memref<97x128xi32, #tpu.memory_space<vmem>> -> memref<1x128xi32, #tpu.memory_space<vmem>>
        %dma_start3A_44 = tpu.memref_squeeze %dma_start3A_43 : memref<1x128xi32, #tpu.memory_space<vmem>> -> memref<128xi32, #tpu.memory_space<vmem>>
        %dma_start3A_45 = arith.constant 0 : i32
        %dma_start3A_46 = arith.constant 0 : i32
        %dma_start3A_47 = tpu.memref_slice %arg2[%dma_start3A_45, %dma_start3A_46] : memref<10240x96xf32, #tpu.memory_space<hbm>> -> memref<10240x96xf32, #tpu.memory_space<hbm>>
        tpu.enqueue_indirect_dma source(%dma_start3A_47 : memref<10240x96xf32, #tpu.memory_space<hbm>>) target(%arg11 : memref<128x96xf32, #tpu.memory_space<vmem>>) offsets(%dma_start3A_44 : memref<128xi32, #tpu.memory_space<vmem>>) semaphore(%arg13 : memref<!tpu.dma_semaphore, #tpu.memory_space<semaphore_mem>>)
        %dma_wait3A_48 = arith.constant 0 : i32
        %dma_wait3A_49 = arith.constant 0 : i32
        %dma_wait3A_50 = tpu.memref_slice %arg9[%dma_wait3A_48, %dma_wait3A_49] : memref<97x128xi32, #tpu.memory_space<vmem>> -> memref<1x128xi32, #tpu.memory_space<vmem>>
        %dma_wait3A_51 = tpu.memref_squeeze %dma_wait3A_50 : memref<1x128xi32, #tpu.memory_space<vmem>> -> memref<128xi32, #tpu.memory_space<vmem>>
        %dma_wait3A_52 = arith.constant 0 : i32
        %dma_wait3A_53 = arith.constant 0 : i32
        %dma_wait3A_54 = tpu.memref_slice %arg2[%dma_wait3A_52, %dma_wait3A_53] : memref<10240x96xf32, #tpu.memory_space<hbm>> -> memref<10240x96xf32, #tpu.memory_space<hbm>>
        tpu.wait_indirect_dma semaphore(%arg12 : memref<!tpu.dma_semaphore, #tpu.memory_space<semaphore_mem>>) src(%dma_wait3A_54 : memref<10240x96xf32, #tpu.memory_space<hbm>>) dst(%arg10 : memref<128x96xf32, #tpu.memory_space<vmem>>)
        "tpu.region"() ({
          %run_scoped3A_72 = tpu.sem_alloc : memref<!tpu.dma_semaphore, #tpu.memory_space<semaphore_mem>>
          %dma_start3A_73 = arith.constant 0 : i32
          %dma_start3A_74 = tpu.memref_slice %arg8[%mul3A_40, %dma_start3A_73] : memref<97x128xi32, #tpu.memory_space<vmem>> -> memref<1x128xi32, #tpu.memory_space<vmem>>
          %dma_start3A_75 = tpu.memref_squeeze %dma_start3A_74 : memref<1x128xi32, #tpu.memory_space<vmem>> -> memref<128xi32, #tpu.memory_space<vmem>>
          %dma_start3A_76 = arith.constant 0 : i32
          %dma_start3A_77 = arith.constant 0 : i32
          %dma_start3A_78 = tpu.memref_slice %arg7[%dma_start3A_76, %dma_start3A_77] : memref<10240x96xf32, #tpu.memory_space<vmem_shared>> -> memref<10240x96xf32, #tpu.memory_space<vmem_shared>>
          tpu.enqueue_indirect_dma source(%arg10 : memref<128x96xf32, #tpu.memory_space<vmem>>) target(%dma_start3A_78 : memref<10240x96xf32, #tpu.memory_space<vmem_shared>>) offsets(%dma_start3A_75 : memref<128xi32, #tpu.memory_space<vmem>>) semaphore(%run_scoped3A_72 : memref<!tpu.dma_semaphore, #tpu.memory_space<semaphore_mem>>) {add = true}
          %dma_wait3A_79 = arith.constant 0 : i32
          %dma_wait3A_80 = tpu.memref_slice %arg8[%mul3A_40, %dma_wait3A_79] : memref<97x128xi32, #tpu.memory_space<vmem>> -> memref<1x128xi32, #tpu.memory_space<vmem>>
          %dma_wait3A_81 = tpu.memref_squeeze %dma_wait3A_80 : memref<1x128xi32, #tpu.memory_space<vmem>> -> memref<128xi32, #tpu.memory_space<vmem>>
          %dma_wait3A_82 = arith.constant 0 : i32
          %dma_wait3A_83 = arith.constant 0 : i32
          %dma_wait3A_84 = tpu.memref_slice %arg7[%dma_wait3A_82, %dma_wait3A_83] : memref<10240x96xf32, #tpu.memory_space<vmem_shared>> -> memref<10240x96xf32, #tpu.memory_space<vmem_shared>>
          tpu.wait_indirect_dma semaphore(%run_scoped3A_72 : memref<!tpu.dma_semaphore, #tpu.memory_space<semaphore_mem>>) src(%arg10 : memref<128x96xf32, #tpu.memory_space<vmem>>) dst(%dma_wait3A_84 : memref<10240x96xf32, #tpu.memory_space<vmem_shared>>)
          tpu.yield
        }) : () -> ()
        %add3A_55 = arith.constant 2 : i32
        %add3A_56 = arith.addi %mul3A_40, %add3A_55 : i32
        %dma_start3A_57 = arith.constant 0 : i32
        %dma_start3A_58 = tpu.memref_slice %arg9[%add3A_56, %dma_start3A_57] : memref<97x128xi32, #tpu.memory_space<vmem>> -> memref<1x128xi32, #tpu.memory_space<vmem>>
        %dma_start3A_59 = tpu.memref_squeeze %dma_start3A_58 : memref<1x128xi32, #tpu.memory_space<vmem>> -> memref<128xi32, #tpu.memory_space<vmem>>
        %dma_start3A_60 = arith.constant 0 : i32
        %dma_start3A_61 = arith.constant 0 : i32
        %dma_start3A_62 = tpu.memref_slice %arg2[%dma_start3A_60, %dma_start3A_61] : memref<10240x96xf32, #tpu.memory_space<hbm>> -> memref<10240x96xf32, #tpu.memory_space<hbm>>
        tpu.enqueue_indirect_dma source(%dma_start3A_62 : memref<10240x96xf32, #tpu.memory_space<hbm>>) target(%arg10 : memref<128x96xf32, #tpu.memory_space<vmem>>) offsets(%dma_start3A_59 : memref<128xi32, #tpu.memory_space<vmem>>) semaphore(%arg12 : memref<!tpu.dma_semaphore, #tpu.memory_space<semaphore_mem>>)
        %dma_wait3A_63 = arith.constant 0 : i32
        %dma_wait3A_64 = arith.constant 0 : i32
        %dma_wait3A_65 = tpu.memref_slice %arg9[%dma_wait3A_63, %dma_wait3A_64] : memref<97x128xi32, #tpu.memory_space<vmem>> -> memref<1x128xi32, #tpu.memory_space<vmem>>
        %dma_wait3A_66 = tpu.memref_squeeze %dma_wait3A_65 : memref<1x128xi32, #tpu.memory_space<vmem>> -> memref<128xi32, #tpu.memory_space<vmem>>
        %dma_wait3A_67 = arith.constant 0 : i32
        %dma_wait3A_68 = arith.constant 0 : i32
        %dma_wait3A_69 = tpu.memref_slice %arg2[%dma_wait3A_67, %dma_wait3A_68] : memref<10240x96xf32, #tpu.memory_space<hbm>> -> memref<10240x96xf32, #tpu.memory_space<hbm>>
        tpu.wait_indirect_dma semaphore(%arg13 : memref<!tpu.dma_semaphore, #tpu.memory_space<semaphore_mem>>) src(%dma_wait3A_69 : memref<10240x96xf32, #tpu.memory_space<hbm>>) dst(%arg11 : memref<128x96xf32, #tpu.memory_space<vmem>>)
        %add3A_70 = arith.constant 1 : i32
        %add3A_71 = arith.addi %mul3A_40, %add3A_70 : i32
        "tpu.region"() ({
          %run_scoped3A_72 = tpu.sem_alloc : memref<!tpu.dma_semaphore, #tpu.memory_space<semaphore_mem>>
          %dma_start3A_73 = arith.constant 0 : i32
          %dma_start3A_74 = tpu.memref_slice %arg8[%add3A_71, %dma_start3A_73] : memref<97x128xi32, #tpu.memory_space<vmem>> -> memref<1x128xi32, #tpu.memory_space<vmem>>
          %dma_start3A_75 = tpu.memref_squeeze %dma_start3A_74 : memref<1x128xi32, #tpu.memory_space<vmem>> -> memref<128xi32, #tpu.memory_space<vmem>>
          %dma_start3A_76 = arith.constant 0 : i32
          %dma_start3A_77 = arith.constant 0 : i32
          %dma_start3A_78 = tpu.memref_slice %arg7[%dma_start3A_76, %dma_start3A_77] : memref<10240x96xf32, #tpu.memory_space<vmem_shared>> -> memref<10240x96xf32, #tpu.memory_space<vmem_shared>>
          tpu.enqueue_indirect_dma source(%arg11 : memref<128x96xf32, #tpu.memory_space<vmem>>) target(%dma_start3A_78 : memref<10240x96xf32, #tpu.memory_space<vmem_shared>>) offsets(%dma_start3A_75 : memref<128xi32, #tpu.memory_space<vmem>>) semaphore(%run_scoped3A_72 : memref<!tpu.dma_semaphore, #tpu.memory_space<semaphore_mem>>) {add = true}
          %dma_wait3A_79 = arith.constant 0 : i32
          %dma_wait3A_80 = tpu.memref_slice %arg8[%add3A_71, %dma_wait3A_79] : memref<97x128xi32, #tpu.memory_space<vmem>> -> memref<1x128xi32, #tpu.memory_space<vmem>>
          %dma_wait3A_81 = tpu.memref_squeeze %dma_wait3A_80 : memref<1x128xi32, #tpu.memory_space<vmem>> -> memref<128xi32, #tpu.memory_space<vmem>>
          %dma_wait3A_82 = arith.constant 0 : i32
          %dma_wait3A_83 = arith.constant 0 : i32
          %dma_wait3A_84 = tpu.memref_slice %arg7[%dma_wait3A_82, %dma_wait3A_83] : memref<10240x96xf32, #tpu.memory_space<vmem_shared>> -> memref<10240x96xf32, #tpu.memory_space<vmem_shared>>
          tpu.wait_indirect_dma semaphore(%run_scoped3A_72 : memref<!tpu.dma_semaphore, #tpu.memory_space<semaphore_mem>>) src(%arg11 : memref<128x96xf32, #tpu.memory_space<vmem>>) dst(%dma_wait3A_84 : memref<10240x96xf32, #tpu.memory_space<vmem_shared>>)
          tpu.yield
        }) : () -> ()
      }
      %scan3A_31 = arith.constant 30 : i32
      %dma_wait3A = arith.constant 0 : i32
      %dma_wait3A_32 = arith.constant 0 : i32
      %dma_wait3A_33 = tpu.memref_slice %arg9[%dma_wait3A, %dma_wait3A_32] : memref<97x128xi32, #tpu.memory_space<vmem>> -> memref<1x128xi32, #tpu.memory_space<vmem>>
      %dma_wait3A_34 = tpu.memref_squeeze %dma_wait3A_33 : memref<1x128xi32, #tpu.memory_space<vmem>> -> memref<128xi32, #tpu.memory_space<vmem>>
      %dma_wait3A_35 = arith.constant 0 : i32
      %dma_wait3A_36 = arith.constant 0 : i32
      %dma_wait3A_37 = tpu.memref_slice %arg2[%dma_wait3A_35, %dma_wait3A_36] : memref<10240x96xf32, #tpu.memory_space<hbm>> -> memref<10240x96xf32, #tpu.memory_space<hbm>>
      tpu.wait_indirect_dma semaphore(%arg12 : memref<!tpu.dma_semaphore, #tpu.memory_space<semaphore_mem>>) src(%dma_wait3A_37 : memref<10240x96xf32, #tpu.memory_space<hbm>>) dst(%arg10 : memref<128x96xf32, #tpu.memory_space<vmem>>)
      %run_scoped3A = arith.constant 60 : i32
      "tpu.region"() ({
        %run_scoped3A_38 = tpu.sem_alloc : memref<!tpu.dma_semaphore, #tpu.memory_space<semaphore_mem>>
        %dma_start3A_39 = arith.constant 0 : i32
        %dma_start3A_40 = tpu.memref_slice %arg8[%run_scoped3A, %dma_start3A_39] : memref<97x128xi32, #tpu.memory_space<vmem>> -> memref<1x128xi32, #tpu.memory_space<vmem>>
        %dma_start3A_41 = tpu.memref_squeeze %dma_start3A_40 : memref<1x128xi32, #tpu.memory_space<vmem>> -> memref<128xi32, #tpu.memory_space<vmem>>
        %dma_start3A_42 = arith.constant 0 : i32
        %dma_start3A_43 = arith.constant 0 : i32
        %dma_start3A_44 = tpu.memref_slice %arg7[%dma_start3A_42, %dma_start3A_43] : memref<10240x96xf32, #tpu.memory_space<vmem_shared>> -> memref<10240x96xf32, #tpu.memory_space<vmem_shared>>
        tpu.enqueue_indirect_dma source(%arg10 : memref<128x96xf32, #tpu.memory_space<vmem>>) target(%dma_start3A_44 : memref<10240x96xf32, #tpu.memory_space<vmem_shared>>) offsets(%dma_start3A_41 : memref<128xi32, #tpu.memory_space<vmem>>) semaphore(%run_scoped3A_38 : memref<!tpu.dma_semaphore, #tpu.memory_space<semaphore_mem>>) {add = true}
        %dma_wait3A_45 = arith.constant 0 : i32
        %dma_wait3A_46 = tpu.memref_slice %arg8[%run_scoped3A, %dma_wait3A_45] : memref<97x128xi32, #tpu.memory_space<vmem>> -> memref<1x128xi32, #tpu.memory_space<vmem>>
        %dma_wait3A_47 = tpu.memref_squeeze %dma_wait3A_46 : memref<1x128xi32, #tpu.memory_space<vmem>> -> memref<128xi32, #tpu.memory_space<vmem>>
        %dma_wait3A_48 = arith.constant 0 : i32
        %dma_wait3A_49 = arith.constant 0 : i32
        %dma_wait3A_50 = tpu.memref_slice %arg7[%dma_wait3A_48, %dma_wait3A_49] : memref<10240x96xf32, #tpu.memory_space<vmem_shared>> -> memref<10240x96xf32, #tpu.memory_space<vmem_shared>>
        tpu.wait_indirect_dma semaphore(%run_scoped3A_38 : memref<!tpu.dma_semaphore, #tpu.memory_space<semaphore_mem>>) src(%arg10 : memref<128x96xf32, #tpu.memory_space<vmem>>) dst(%dma_wait3A_50 : memref<10240x96xf32, #tpu.memory_space<vmem_shared>>)
        tpu.yield
      }) : () -> ()
    } else {
    }
    %barrier3A_17 = arith.constant 0 : index
    tpu.barrier barrier_id(%barrier3A_17)
    %mul3A = arith.constant 640 : i32
    %mul3A_18 = arith.muli %arg1, %mul3A : i32
    %mul3A_19 = arith.constant 640 : i32
    %mul3A_20 = arith.muli %arg1, %mul3A_19 : i32
    "tpu.region"() ({
      %run_scoped3A = tpu.sem_alloc : memref<!tpu.dma_semaphore, #tpu.memory_space<semaphore_mem>>
      %dma_start3A = arith.constant 0 : i32
      %dma_start3A_21 = tpu.memref_slice %arg6[%arg0, %mul3A_20, %dma_start3A] : memref<2x10240x96xf32, #tpu.memory_space<hbm>> -> memref<1x640x96xf32, #tpu.memory_space<hbm>>
      %dma_start3A_22 = tpu.memref_squeeze %dma_start3A_21 : memref<1x640x96xf32, #tpu.memory_space<hbm>> -> memref<640x96xf32, #tpu.memory_space<hbm>>
      %dma_start3A_23 = arith.constant 0 : i32
      %dma_start3A_24 = tpu.memref_slice %arg7[%mul3A_18, %dma_start3A_23] : memref<10240x96xf32, #tpu.memory_space<vmem_shared>> -> memref<640x96xf32, #tpu.memory_space<vmem_shared>>
      tpu.enqueue_dma source(%dma_start3A_24 : memref<640x96xf32, #tpu.memory_space<vmem_shared>>) target(%dma_start3A_22 : memref<640x96xf32, #tpu.memory_space<hbm>>) target_semaphore(%run_scoped3A : memref<!tpu.dma_semaphore, #tpu.memory_space<semaphore_mem>>)
      %dma_wait3A = arith.constant 0 : i32
      %dma_wait3A_25 = tpu.memref_slice %arg6[%arg0, %mul3A_20, %dma_wait3A] : memref<2x10240x96xf32, #tpu.memory_space<hbm>> -> memref<1x640x96xf32, #tpu.memory_space<hbm>>
      %dma_wait3A_26 = tpu.memref_squeeze %dma_wait3A_25 : memref<1x640x96xf32, #tpu.memory_space<hbm>> -> memref<640x96xf32, #tpu.memory_space<hbm>>
      %dma_wait3A_27 = arith.constant 0 : i32
      %dma_wait3A_28 = tpu.memref_slice %arg7[%mul3A_18, %dma_wait3A_27] : memref<10240x96xf32, #tpu.memory_space<vmem_shared>> -> memref<640x96xf32, #tpu.memory_space<vmem_shared>>
      tpu.wait_dma2 semaphore(%run_scoped3A : memref<!tpu.dma_semaphore, #tpu.memory_space<semaphore_mem>>) src(%dma_wait3A_28 : memref<640x96xf32, #tpu.memory_space<vmem_shared>>) dst(%dma_wait3A_26 : memref<640x96xf32, #tpu.memory_space<hbm>>)
      tpu.yield
    }) : () -> ()
    return
  }
}

#map = affine_map<(d0, d1) -> (0, 0, 0)>
#map1 = affine_map<(d0, d1) -> (0, 0)>
module attributes {stable_mosaic.version = 14 : i64} {
  func.func @comb(%arg0: i32, %arg1: i32, %arg2: memref<2x10240x96xf32, #tpu.memory_space<hbm>>, %arg3: memref<10240x96xf32, #tpu.memory_space<hbm>>, %arg4: memref<320x96xf32, #tpu.memory_space<vmem>>, %arg5: memref<320x96xf32, #tpu.memory_space<vmem>>) attributes {dimension_semantics = [#tpu.dimension_semantics<core_parallel>, #tpu.dimension_semantics<subcore_parallel>], iteration_bounds = array<i64: 2, 16>, scalar_prefetch = 0 : i64, scratch_operands = 2 : i64, tpu.core_type = #tpu.core_type<sc_vector_subcore>, window_params = [{transform_indices = #map}, {transform_indices = #map1}]} {
    %mul3A = arith.constant 16 : i32
    %mul3A_0 = arith.muli %arg0, %mul3A : i32
    %add3A = arith.addi %mul3A_0, %arg1 : i32
    %mul3A_1 = arith.constant 320 : i32
    %mul3A_2 = arith.muli %add3A, %mul3A_1 : i32
    %run_scoped3A = arith.constant 0 : i32
    "tpu.region"() ({
      %run_scoped3A_9 = tpu.sem_alloc : memref<!tpu.dma_semaphore, #tpu.memory_space<semaphore_mem>>
      %dma_start3A = arith.constant 0 : i32
      %dma_start3A_10 = tpu.memref_slice %arg2[%run_scoped3A, %mul3A_2, %dma_start3A] : memref<2x10240x96xf32, #tpu.memory_space<hbm>> -> memref<1x320x96xf32, #tpu.memory_space<hbm>>
      %dma_start3A_11 = tpu.memref_squeeze %dma_start3A_10 : memref<1x320x96xf32, #tpu.memory_space<hbm>> -> memref<320x96xf32, #tpu.memory_space<hbm>>
      %dma_start3A_12 = arith.constant 0 : i32
      %dma_start3A_13 = tpu.memref_slice %arg2[%run_scoped3A, %mul3A_2, %dma_start3A_12] : memref<2x10240x96xf32, #tpu.memory_space<hbm>> -> memref<1x320x96xf32, #tpu.memory_space<hbm>>
      %dma_start3A_14 = tpu.memref_squeeze %dma_start3A_13 : memref<1x320x96xf32, #tpu.memory_space<hbm>> -> memref<320x96xf32, #tpu.memory_space<hbm>>
      tpu.enqueue_dma source(%dma_start3A_14 : memref<320x96xf32, #tpu.memory_space<hbm>>) target(%arg4 : memref<320x96xf32, #tpu.memory_space<vmem>>) target_semaphore(%run_scoped3A_9 : memref<!tpu.dma_semaphore, #tpu.memory_space<semaphore_mem>>)
      %dma_wait3A = arith.constant 0 : i32
      %dma_wait3A_15 = tpu.memref_slice %arg2[%run_scoped3A, %mul3A_2, %dma_wait3A] : memref<2x10240x96xf32, #tpu.memory_space<hbm>> -> memref<1x320x96xf32, #tpu.memory_space<hbm>>
      %dma_wait3A_16 = tpu.memref_squeeze %dma_wait3A_15 : memref<1x320x96xf32, #tpu.memory_space<hbm>> -> memref<320x96xf32, #tpu.memory_space<hbm>>
      %dma_wait3A_17 = arith.constant 0 : i32
      %dma_wait3A_18 = tpu.memref_slice %arg2[%run_scoped3A, %mul3A_2, %dma_wait3A_17] : memref<2x10240x96xf32, #tpu.memory_space<hbm>> -> memref<1x320x96xf32, #tpu.memory_space<hbm>>
      %dma_wait3A_19 = tpu.memref_squeeze %dma_wait3A_18 : memref<1x320x96xf32, #tpu.memory_space<hbm>> -> memref<320x96xf32, #tpu.memory_space<hbm>>
      tpu.wait_dma2 semaphore(%run_scoped3A_9 : memref<!tpu.dma_semaphore, #tpu.memory_space<semaphore_mem>>) src(%dma_wait3A_19 : memref<320x96xf32, #tpu.memory_space<hbm>>) dst(%arg4 : memref<320x96xf32, #tpu.memory_space<vmem>>)
      tpu.yield
    }) : () -> ()
    %run_scoped3A_3 = arith.constant 1 : i32
    "tpu.region"() ({
      %run_scoped3A_9 = tpu.sem_alloc : memref<!tpu.dma_semaphore, #tpu.memory_space<semaphore_mem>>
      %dma_start3A = arith.constant 0 : i32
      %dma_start3A_10 = tpu.memref_slice %arg2[%run_scoped3A_3, %mul3A_2, %dma_start3A] : memref<2x10240x96xf32, #tpu.memory_space<hbm>> -> memref<1x320x96xf32, #tpu.memory_space<hbm>>
      %dma_start3A_11 = tpu.memref_squeeze %dma_start3A_10 : memref<1x320x96xf32, #tpu.memory_space<hbm>> -> memref<320x96xf32, #tpu.memory_space<hbm>>
      %dma_start3A_12 = arith.constant 0 : i32
      %dma_start3A_13 = tpu.memref_slice %arg2[%run_scoped3A_3, %mul3A_2, %dma_start3A_12] : memref<2x10240x96xf32, #tpu.memory_space<hbm>> -> memref<1x320x96xf32, #tpu.memory_space<hbm>>
      %dma_start3A_14 = tpu.memref_squeeze %dma_start3A_13 : memref<1x320x96xf32, #tpu.memory_space<hbm>> -> memref<320x96xf32, #tpu.memory_space<hbm>>
      tpu.enqueue_dma source(%dma_start3A_14 : memref<320x96xf32, #tpu.memory_space<hbm>>) target(%arg5 : memref<320x96xf32, #tpu.memory_space<vmem>>) target_semaphore(%run_scoped3A_9 : memref<!tpu.dma_semaphore, #tpu.memory_space<semaphore_mem>>)
      %dma_wait3A = arith.constant 0 : i32
      %dma_wait3A_15 = tpu.memref_slice %arg2[%run_scoped3A_3, %mul3A_2, %dma_wait3A] : memref<2x10240x96xf32, #tpu.memory_space<hbm>> -> memref<1x320x96xf32, #tpu.memory_space<hbm>>
      %dma_wait3A_16 = tpu.memref_squeeze %dma_wait3A_15 : memref<1x320x96xf32, #tpu.memory_space<hbm>> -> memref<320x96xf32, #tpu.memory_space<hbm>>
      %dma_wait3A_17 = arith.constant 0 : i32
      %dma_wait3A_18 = tpu.memref_slice %arg2[%run_scoped3A_3, %mul3A_2, %dma_wait3A_17] : memref<2x10240x96xf32, #tpu.memory_space<hbm>> -> memref<1x320x96xf32, #tpu.memory_space<hbm>>
      %dma_wait3A_19 = tpu.memref_squeeze %dma_wait3A_18 : memref<1x320x96xf32, #tpu.memory_space<hbm>> -> memref<320x96xf32, #tpu.memory_space<hbm>>
      tpu.wait_dma2 semaphore(%run_scoped3A_9 : memref<!tpu.dma_semaphore, #tpu.memory_space<semaphore_mem>>) src(%dma_wait3A_19 : memref<320x96xf32, #tpu.memory_space<hbm>>) dst(%arg5 : memref<320x96xf32, #tpu.memory_space<vmem>>)
      tpu.yield
    }) : () -> ()
    %scan3A = arith.constant 0 : i32
    %scan3A_4 = arith.constant 0 : i32
    %scan3A_5 = arith.constant 320 : i32
    %scan3A_6 = arith.addi %scan3A_4, %scan3A_5 : i32
    %scan3A_7 = arith.constant 1 : i32
    scf.for %scan3A_9 = %scan3A_4 to %scan3A_6 step %scan3A_7  : i32 {
      %get3A = arith.index_cast %scan3A_9 : i32 to index
      %get3A_10 = arith.constant 0 : index
      %get3A_11 = tpu.vector_load %arg4[%get3A, %get3A_10] {strides = array<i32>} : memref<320x96xf32, #tpu.memory_space<vmem>>, vector<1x16xf32>,
      %get3A_12 = vector.shape_cast %get3A_11 : vector<1x16xf32> to vector<16xf32>
      %get3A_13 = arith.index_cast %scan3A_9 : i32 to index
      %get3A_14 = arith.constant 0 : index
      %get3A_15 = tpu.vector_load %arg5[%get3A_13, %get3A_14] {strides = array<i32>} : memref<320x96xf32, #tpu.memory_space<vmem>>, vector<1x16xf32>,
      %get3A_16 = vector.shape_cast %get3A_15 : vector<1x16xf32> to vector<16xf32>
      %add3A_17 = arith.addf %get3A_12, %get3A_16 : vector<16xf32>
      %swap3A = arith.index_cast %scan3A_9 : i32 to index
      %swap3A_18 = arith.constant 0 : index
      %swap3A_19 = tpu.vector_load %arg4[%swap3A, %swap3A_18] {strides = array<i32>} : memref<320x96xf32, #tpu.memory_space<vmem>>, vector<1x16xf32>,
      %swap3A_20 = vector.shape_cast %swap3A_19 : vector<1x16xf32> to vector<16xf32>
      %swap3A_21 = vector.shape_cast %add3A_17 : vector<16xf32> to vector<1x16xf32>
      tpu.vector_store %arg4[%swap3A, %swap3A_18], %swap3A_21 {strides = array<i32>} : memref<320x96xf32, #tpu.memory_space<vmem>>, vector<1x16xf32>,
      %get3A_22 = arith.index_cast %scan3A_9 : i32 to index
      %get3A_23 = arith.constant 16 : index
      %get3A_24 = tpu.vector_load %arg4[%get3A_22, %get3A_23] {strides = array<i32>} : memref<320x96xf32, #tpu.memory_space<vmem>>, vector<1x16xf32>,
      %get3A_25 = vector.shape_cast %get3A_24 : vector<1x16xf32> to vector<16xf32>
      %get3A_26 = arith.index_cast %scan3A_9 : i32 to index
      %get3A_27 = arith.constant 16 : index
      %get3A_28 = tpu.vector_load %arg5[%get3A_26, %get3A_27] {strides = array<i32>} : memref<320x96xf32, #tpu.memory_space<vmem>>, vector<1x16xf32>,
      %get3A_29 = vector.shape_cast %get3A_28 : vector<1x16xf32> to vector<16xf32>
      %add3A_30 = arith.addf %get3A_25, %get3A_29 : vector<16xf32>
      %swap3A_31 = arith.index_cast %scan3A_9 : i32 to index
      %swap3A_32 = arith.constant 16 : index
      %swap3A_33 = tpu.vector_load %arg4[%swap3A_31, %swap3A_32] {strides = array<i32>} : memref<320x96xf32, #tpu.memory_space<vmem>>, vector<1x16xf32>,
      %swap3A_34 = vector.shape_cast %swap3A_33 : vector<1x16xf32> to vector<16xf32>
      %swap3A_35 = vector.shape_cast %add3A_30 : vector<16xf32> to vector<1x16xf32>
      tpu.vector_store %arg4[%swap3A_31, %swap3A_32], %swap3A_35 {strides = array<i32>} : memref<320x96xf32, #tpu.memory_space<vmem>>, vector<1x16xf32>,
      %get3A_36 = arith.index_cast %scan3A_9 : i32 to index
      %get3A_37 = arith.constant 32 : index
      %get3A_38 = tpu.vector_load %arg4[%get3A_36, %get3A_37] {strides = array<i32>} : memref<320x96xf32, #tpu.memory_space<vmem>>, vector<1x16xf32>,
      %get3A_39 = vector.shape_cast %get3A_38 : vector<1x16xf32> to vector<16xf32>
      %get3A_40 = arith.index_cast %scan3A_9 : i32 to index
      %get3A_41 = arith.constant 32 : index
      %get3A_42 = tpu.vector_load %arg5[%get3A_40, %get3A_41] {strides = array<i32>} : memref<320x96xf32, #tpu.memory_space<vmem>>, vector<1x16xf32>,
      %get3A_43 = vector.shape_cast %get3A_42 : vector<1x16xf32> to vector<16xf32>
      %add3A_44 = arith.addf %get3A_39, %get3A_43 : vector<16xf32>
      %swap3A_45 = arith.index_cast %scan3A_9 : i32 to index
      %swap3A_46 = arith.constant 32 : index
      %swap3A_47 = tpu.vector_load %arg4[%swap3A_45, %swap3A_46] {strides = array<i32>} : memref<320x96xf32, #tpu.memory_space<vmem>>, vector<1x16xf32>,
      %swap3A_48 = vector.shape_cast %swap3A_47 : vector<1x16xf32> to vector<16xf32>
      %swap3A_49 = vector.shape_cast %add3A_44 : vector<16xf32> to vector<1x16xf32>
      tpu.vector_store %arg4[%swap3A_45, %swap3A_46], %swap3A_49 {strides = array<i32>} : memref<320x96xf32, #tpu.memory_space<vmem>>, vector<1x16xf32>,
      %get3A_50 = arith.index_cast %scan3A_9 : i32 to index
      %get3A_51 = arith.constant 48 : index
      %get3A_52 = tpu.vector_load %arg4[%get3A_50, %get3A_51] {strides = array<i32>} : memref<320x96xf32, #tpu.memory_space<vmem>>, vector<1x16xf32>,
      %get3A_53 = vector.shape_cast %get3A_52 : vector<1x16xf32> to vector<16xf32>
      %get3A_54 = arith.index_cast %scan3A_9 : i32 to index
      %get3A_55 = arith.constant 48 : index
      %get3A_56 = tpu.vector_load %arg5[%get3A_54, %get3A_55] {strides = array<i32>} : memref<320x96xf32, #tpu.memory_space<vmem>>, vector<1x16xf32>,
      %get3A_57 = vector.shape_cast %get3A_56 : vector<1x16xf32> to vector<16xf32>
      %add3A_58 = arith.addf %get3A_53, %get3A_57 : vector<16xf32>
      %swap3A_59 = arith.index_cast %scan3A_9 : i32 to index
      %swap3A_60 = arith.constant 48 : index
      %swap3A_61 = tpu.vector_load %arg4[%swap3A_59, %swap3A_60] {strides = array<i32>} : memref<320x96xf32, #tpu.memory_space<vmem>>, vector<1x16xf32>,
      %swap3A_62 = vector.shape_cast %swap3A_61 : vector<1x16xf32> to vector<16xf32>
      %swap3A_63 = vector.shape_cast %add3A_58 : vector<16xf32> to vector<1x16xf32>
      tpu.vector_store %arg4[%swap3A_59, %swap3A_60], %swap3A_63 {strides = array<i32>} : memref<320x96xf32, #tpu.memory_space<vmem>>, vector<1x16xf32>,
      %get3A_64 = arith.index_cast %scan3A_9 : i32 to index
      %get3A_65 = arith.constant 64 : index
      %get3A_66 = tpu.vector_load %arg4[%get3A_64, %get3A_65] {strides = array<i32>} : memref<320x96xf32, #tpu.memory_space<vmem>>, vector<1x16xf32>,
      %get3A_67 = vector.shape_cast %get3A_66 : vector<1x16xf32> to vector<16xf32>
      %get3A_68 = arith.index_cast %scan3A_9 : i32 to index
      %get3A_69 = arith.constant 64 : index
      %get3A_70 = tpu.vector_load %arg5[%get3A_68, %get3A_69] {strides = array<i32>} : memref<320x96xf32, #tpu.memory_space<vmem>>, vector<1x16xf32>,
      %get3A_71 = vector.shape_cast %get3A_70 : vector<1x16xf32> to vector<16xf32>
      %add3A_72 = arith.addf %get3A_67, %get3A_71 : vector<16xf32>
      %swap3A_73 = arith.index_cast %scan3A_9 : i32 to index
      %swap3A_74 = arith.constant 64 : index
      %swap3A_75 = tpu.vector_load %arg4[%swap3A_73, %swap3A_74] {strides = array<i32>} : memref<320x96xf32, #tpu.memory_space<vmem>>, vector<1x16xf32>,
      %swap3A_76 = vector.shape_cast %swap3A_75 : vector<1x16xf32> to vector<16xf32>
      %swap3A_77 = vector.shape_cast %add3A_72 : vector<16xf32> to vector<1x16xf32>
      tpu.vector_store %arg4[%swap3A_73, %swap3A_74], %swap3A_77 {strides = array<i32>} : memref<320x96xf32, #tpu.memory_space<vmem>>, vector<1x16xf32>,
      %get3A_78 = arith.index_cast %scan3A_9 : i32 to index
      %get3A_79 = arith.constant 80 : index
      %get3A_80 = tpu.vector_load %arg4[%get3A_78, %get3A_79] {strides = array<i32>} : memref<320x96xf32, #tpu.memory_space<vmem>>, vector<1x16xf32>,
      %get3A_81 = vector.shape_cast %get3A_80 : vector<1x16xf32> to vector<16xf32>
      %get3A_82 = arith.index_cast %scan3A_9 : i32 to index
      %get3A_83 = arith.constant 80 : index
      %get3A_84 = tpu.vector_load %arg5[%get3A_82, %get3A_83] {strides = array<i32>} : memref<320x96xf32, #tpu.memory_space<vmem>>, vector<1x16xf32>,
      %get3A_85 = vector.shape_cast %get3A_84 : vector<1x16xf32> to vector<16xf32>
      %add3A_86 = arith.addf %get3A_81, %get3A_85 : vector<16xf32>
      %swap3A_87 = arith.index_cast %scan3A_9 : i32 to index
      %swap3A_88 = arith.constant 80 : index
      %swap3A_89 = tpu.vector_load %arg4[%swap3A_87, %swap3A_88] {strides = array<i32>} : memref<320x96xf32, #tpu.memory_space<vmem>>, vector<1x16xf32>,
      %swap3A_90 = vector.shape_cast %swap3A_89 : vector<1x16xf32> to vector<16xf32>
      %swap3A_91 = vector.shape_cast %add3A_86 : vector<16xf32> to vector<1x16xf32>
      tpu.vector_store %arg4[%swap3A_87, %swap3A_88], %swap3A_91 {strides = array<i32>} : memref<320x96xf32, #tpu.memory_space<vmem>>, vector<1x16xf32>,
    }
    %scan3A_8 = arith.constant 320 : i32
    "tpu.region"() ({
      %run_scoped3A_9 = tpu.sem_alloc : memref<!tpu.dma_semaphore, #tpu.memory_space<semaphore_mem>>
      %dma_start3A = arith.constant 0 : i32
      %dma_start3A_10 = tpu.memref_slice %arg3[%mul3A_2, %dma_start3A] : memref<10240x96xf32, #tpu.memory_space<hbm>> -> memref<320x96xf32, #tpu.memory_space<hbm>>
      %dma_start3A_11 = arith.constant 0 : i32
      %dma_start3A_12 = tpu.memref_slice %arg3[%mul3A_2, %dma_start3A_11] : memref<10240x96xf32, #tpu.memory_space<hbm>> -> memref<320x96xf32, #tpu.memory_space<hbm>>
      tpu.enqueue_dma source(%arg4 : memref<320x96xf32, #tpu.memory_space<vmem>>) target(%dma_start3A_12 : memref<320x96xf32, #tpu.memory_space<hbm>>) target_semaphore(%run_scoped3A_9 : memref<!tpu.dma_semaphore, #tpu.memory_space<semaphore_mem>>)
      %dma_wait3A = arith.constant 0 : i32
      %dma_wait3A_13 = tpu.memref_slice %arg3[%mul3A_2, %dma_wait3A] : memref<10240x96xf32, #tpu.memory_space<hbm>> -> memref<320x96xf32, #tpu.memory_space<hbm>>
      %dma_wait3A_14 = arith.constant 0 : i32
      %dma_wait3A_15 = tpu.memref_slice %arg3[%mul3A_2, %dma_wait3A_14] : memref<10240x96xf32, #tpu.memory_space<hbm>> -> memref<320x96xf32, #tpu.memory_space<hbm>>
      tpu.wait_dma2 semaphore(%run_scoped3A_9 : memref<!tpu.dma_semaphore, #tpu.memory_space<semaphore_mem>>) src(%arg4 : memref<320x96xf32, #tpu.memory_space<vmem>>) dst(%dma_wait3A_15 : memref<320x96xf32, #tpu.memory_space<hbm>>)
      tpu.yield
    }) : () -> ()
    return
  }
}

module attributes {stable_mosaic.version = 14 : i64} {
  func.func @_k1a_body(%arg0: i32, %arg1: memref<512x128xf32, #tpu.memory_space<vmem>>, %arg2: memref<128x96xf32, #tpu.memory_space<vmem>>, %arg3: memref<1x96xf32, #tpu.memory_space<vmem>>, %arg4: memref<512x96xf32, #tpu.memory_space<vmem>>) attributes {dimension_semantics = [#tpu.dimension_semantics<arbitrary>], iteration_bounds = array<i64: 20>, scalar_prefetch = 0 : i64, scratch_operands = 0 : i64, tpu.core_type = #tpu.core_type<tc>, window_params = [{transform_indices = @transform_0, window_bounds = array<i64: 512, 128>}, {pipeline_mode = #tpu.pipeline_mode<synchronous>, transform_indices = @transform_1, window_bounds = array<i64: 128, 96>}, {pipeline_mode = #tpu.pipeline_mode<synchronous>, transform_indices = @transform_2, window_bounds = array<i64: 1, 96>}, {transform_indices = @transform_3, window_bounds = array<i64: 512, 96>}]} {
    %get3A = arith.constant 0 : index
    %get3A_0 = arith.constant 0 : index
    %get3A_1 = vector.load %arg1[%get3A, %get3A_0] : memref<512x128xf32, #tpu.memory_space<vmem>>, vector<512x128xf32>
    %get3A_2 = arith.constant 0 : index
    %get3A_3 = arith.constant 0 : index
    %get3A_4 = vector.load %arg2[%get3A_2, %get3A_3] : memref<128x96xf32, #tpu.memory_space<vmem>>, vector<128x96xf32>
    %dot_general3A = arith.constant dense<0.000000e+00> : vector<512x96xf32>
    %dot_general3A_5 = tpu.matmul %get3A_1, %get3A_4, %dot_general3A {dimension_numbers = #tpu.dot_dimension_numbers<[1], [0], [0], [1], [0, 0, 1, 1], [], []>, transpose_lhs_hint = false} : vector<512x128xf32>, vector<128x96xf32>, vector<512x96xf32> -> vector<512x96xf32>
    %get3A_6 = arith.constant 0 : index
    %get3A_7 = arith.constant 0 : index
    %get3A_8 = vector.load %arg3[%get3A_6, %get3A_7] : memref<1x96xf32, #tpu.memory_space<vmem>>, vector<1x96xf32>
    %add3A = vector.broadcast %get3A_8 : vector<1x96xf32> to vector<512x96xf32>
    %add3A_9 = arith.addf %dot_general3A_5, %add3A : vector<512x96xf32>
    %swap3A = arith.constant 0 : index
    %swap3A_10 = arith.constant 0 : index
    %swap3A_11 = vector.load %arg4[%swap3A, %swap3A_10] : memref<512x96xf32, #tpu.memory_space<vmem>>, vector<512x96xf32>
    tpu.vector_store %arg4[%swap3A, %swap3A_10], %add3A_9 {strides = array<i32>} : memref<512x96xf32, #tpu.memory_space<vmem>>, vector<512x96xf32>,
    return
  }
  func.func @transform_0(%arg0: i32) -> (i32, i32) {
    %c0_i32 = arith.constant 0 : i32
    %c0_i32_0 = arith.constant 0 : i32
    return %arg0, %c0_i32 : i32, i32
  }
  func.func @transform_1(%arg0: i32) -> (i32, i32) {
    %c0_i32 = arith.constant 0 : i32
    %c0_i32_0 = arith.constant 0 : i32
    %c0_i32_1 = arith.constant 0 : i32
    return %c0_i32, %c0_i32_0 : i32, i32
  }
  func.func @transform_2(%arg0: i32) -> (i32, i32) {
    %c0_i32 = arith.constant 0 : i32
    %c0_i32_0 = arith.constant 0 : i32
    %c0_i32_1 = arith.constant 0 : i32
    return %c0_i32, %c0_i32_0 : i32, i32
  }
  func.func @transform_3(%arg0: i32) -> (i32, i32) {
    %c0_i32 = arith.constant 0 : i32
    %c0_i32_0 = arith.constant 0 : i32
    return %arg0, %c0_i32 : i32, i32
  }
}

module attributes {stable_mosaic.version = 14 : i64} {
  func.func @_k1b_body(%arg0: i32, %arg1: memref<512x128xf32, #tpu.memory_space<vmem>>, %arg2: memref<128x48xf32, #tpu.memory_space<vmem>>, %arg3: memref<1x48xf32, #tpu.memory_space<vmem>>, %arg4: memref<512x48xf32, #tpu.memory_space<vmem>>) attributes {dimension_semantics = [#tpu.dimension_semantics<arbitrary>], iteration_bounds = array<i64: 20>, scalar_prefetch = 0 : i64, scratch_operands = 0 : i64, tpu.core_type = #tpu.core_type<tc>, window_params = [{transform_indices = @transform_0, window_bounds = array<i64: 512, 128>}, {pipeline_mode = #tpu.pipeline_mode<synchronous>, transform_indices = @transform_1, window_bounds = array<i64: 128, 48>}, {pipeline_mode = #tpu.pipeline_mode<synchronous>, transform_indices = @transform_2, window_bounds = array<i64: 1, 48>}, {transform_indices = @transform_3, window_bounds = array<i64: 512, 48>}]} {
    %get3A = arith.constant 0 : index
    %get3A_0 = arith.constant 0 : index
    %get3A_1 = vector.load %arg1[%get3A, %get3A_0] : memref<512x128xf32, #tpu.memory_space<vmem>>, vector<512x128xf32>
    %get3A_2 = arith.constant 0 : index
    %get3A_3 = arith.constant 0 : index
    %get3A_4 = vector.load %arg2[%get3A_2, %get3A_3] : memref<128x48xf32, #tpu.memory_space<vmem>>, vector<128x48xf32>
    %dot_general3A = arith.constant dense<0.000000e+00> : vector<512x48xf32>
    %dot_general3A_5 = tpu.matmul %get3A_1, %get3A_4, %dot_general3A {dimension_numbers = #tpu.dot_dimension_numbers<[1], [0], [0], [1], [0, 0, 1, 1], [], []>, transpose_lhs_hint = false} : vector<512x128xf32>, vector<128x48xf32>, vector<512x48xf32> -> vector<512x48xf32>
    %get3A_6 = arith.constant 0 : index
    %get3A_7 = arith.constant 0 : index
    %get3A_8 = vector.load %arg3[%get3A_6, %get3A_7] : memref<1x48xf32, #tpu.memory_space<vmem>>, vector<1x48xf32>
    %add3A = vector.broadcast %get3A_8 : vector<1x48xf32> to vector<512x48xf32>
    %add3A_9 = arith.addf %dot_general3A_5, %add3A : vector<512x48xf32>
    %max3A = arith.constant 0.000000e+00 : f32
    %max3A_10 = vector.broadcast %max3A : f32 to vector<512x48xf32>
    %max3A_11 = arith.maximumf %add3A_9, %max3A_10 : vector<512x48xf32>
    %swap3A = arith.constant 0 : index
    %swap3A_12 = arith.constant 0 : index
    %swap3A_13 = vector.load %arg4[%swap3A, %swap3A_12] : memref<512x48xf32, #tpu.memory_space<vmem>>, vector<512x48xf32>
    tpu.vector_store %arg4[%swap3A, %swap3A_12], %max3A_11 {strides = array<i32>} : memref<512x48xf32, #tpu.memory_space<vmem>>, vector<512x48xf32>,
    return
  }
  func.func @transform_0(%arg0: i32) -> (i32, i32) {
    %c0_i32 = arith.constant 0 : i32
    %c0_i32_0 = arith.constant 0 : i32
    return %arg0, %c0_i32 : i32, i32
  }
  func.func @transform_1(%arg0: i32) -> (i32, i32) {
    %c0_i32 = arith.constant 0 : i32
    %c0_i32_0 = arith.constant 0 : i32
    %c0_i32_1 = arith.constant 0 : i32
    return %c0_i32, %c0_i32_0 : i32, i32
  }
  func.func @transform_2(%arg0: i32) -> (i32, i32) {
    %c0_i32 = arith.constant 0 : i32
    %c0_i32_0 = arith.constant 0 : i32
    %c0_i32_1 = arith.constant 0 : i32
    return %c0_i32, %c0_i32_0 : i32, i32
  }
  func.func @transform_3(%arg0: i32) -> (i32, i32) {
    %c0_i32 = arith.constant 0 : i32
    %c0_i32_0 = arith.constant 0 : i32
    return %arg0, %c0_i32 : i32, i32
  }
}

module attributes {stable_mosaic.version = 14 : i64} {
  func.func @_k3b_body(%arg0: i32, %arg1: memref<512x96xf32, #tpu.memory_space<vmem>>, %arg2: memref<1x96xf32, #tpu.memory_space<vmem>>, %arg3: memref<512x96xf32, #tpu.memory_space<vmem>>, %arg4: memref<512x48xf32, #tpu.memory_space<vmem>>) attributes {dimension_semantics = [#tpu.dimension_semantics<arbitrary>], iteration_bounds = array<i64: 20>, scalar_prefetch = 0 : i64, scratch_operands = 0 : i64, tpu.core_type = #tpu.core_type<tc>, window_params = [{transform_indices = @transform_0, window_bounds = array<i64: 512, 96>}, {pipeline_mode = #tpu.pipeline_mode<synchronous>, transform_indices = @transform_1, window_bounds = array<i64: 1, 96>}, {transform_indices = @transform_2, window_bounds = array<i64: 512, 96>}, {transform_indices = @transform_3, window_bounds = array<i64: 512, 48>}]} {
    %get3A = arith.constant 0 : index
    %get3A_0 = arith.constant 0 : index
    %get3A_1 = vector.load %arg1[%get3A, %get3A_0] : memref<512x96xf32, #tpu.memory_space<vmem>>, vector<512x96xf32>
    %slice3A = vector.extract_strided_slice %get3A_1 {offsets = [0, 95], sizes = [512, 1], strides = [1, 1]} : vector<512x96xf32> to vector<512x1xf32>
    %max3A = arith.constant 1.000000e+00 : f32
    %max3A_2 = vector.broadcast %max3A : f32 to vector<512x1xf32>
    %max3A_3 = arith.maximumf %slice3A, %max3A_2 : vector<512x1xf32>
    %div3A = arith.constant 1.000000e+00 : f32
    %div3A_4 = vector.broadcast %div3A : f32 to vector<512x1xf32>
    %div3A_5 = arith.divf %div3A_4, %max3A_3 : vector<512x1xf32>
    %mul3A = vector.broadcast %div3A_5 : vector<512x1xf32> to vector<512x96xf32>
    %mul3A_6 = arith.mulf %get3A_1, %mul3A : vector<512x96xf32>
    %get3A_7 = arith.constant 0 : index
    %get3A_8 = arith.constant 0 : index
    %get3A_9 = vector.load %arg2[%get3A_7, %get3A_8] : memref<1x96xf32, #tpu.memory_space<vmem>>, vector<1x96xf32>
    %add3A = vector.broadcast %get3A_9 : vector<1x96xf32> to vector<512x96xf32>
    %add3A_10 = arith.addf %mul3A_6, %add3A : vector<512x96xf32>
    %max3A_11 = arith.constant 0.000000e+00 : f32
    %max3A_12 = vector.broadcast %max3A_11 : f32 to vector<512x96xf32>
    %max3A_13 = arith.maximumf %add3A_10, %max3A_12 : vector<512x96xf32>
    %swap3A = arith.constant 0 : index
    %swap3A_14 = arith.constant 0 : index
    %swap3A_15 = vector.load %arg3[%swap3A, %swap3A_14] : memref<512x96xf32, #tpu.memory_space<vmem>>, vector<512x96xf32>
    tpu.vector_store %arg3[%swap3A, %swap3A_14], %max3A_13 {strides = array<i32>} : memref<512x96xf32, #tpu.memory_space<vmem>>, vector<512x96xf32>,
    %mul3A_16 = arith.mulf %div3A_5, %div3A_5 : vector<512x1xf32>
    %broadcast_in_dim3A = vector.shape_cast %mul3A_16 : vector<512x1xf32> to vector<512x1xf32>
    %broadcast_in_dim3A_17 = vector.broadcast %broadcast_in_dim3A : vector<512x1xf32> to vector<512x48xf32>
    %swap3A_18 = arith.constant 0 : index
    %swap3A_19 = arith.constant 0 : index
    %swap3A_20 = vector.load %arg4[%swap3A_18, %swap3A_19] : memref<512x48xf32, #tpu.memory_space<vmem>>, vector<512x48xf32>
    tpu.vector_store %arg4[%swap3A_18, %swap3A_19], %broadcast_in_dim3A_17 {strides = array<i32>} : memref<512x48xf32, #tpu.memory_space<vmem>>, vector<512x48xf32>,
    return
  }
  func.func @transform_0(%arg0: i32) -> (i32, i32) {
    %c0_i32 = arith.constant 0 : i32
    %c0_i32_0 = arith.constant 0 : i32
    return %arg0, %c0_i32 : i32, i32
  }
  func.func @transform_1(%arg0: i32) -> (i32, i32) {
    %c0_i32 = arith.constant 0 : i32
    %c0_i32_0 = arith.constant 0 : i32
    %c0_i32_1 = arith.constant 0 : i32
    return %c0_i32, %c0_i32_0 : i32, i32
  }
  func.func @transform_2(%arg0: i32) -> (i32, i32) {
    %c0_i32 = arith.constant 0 : i32
    %c0_i32_0 = arith.constant 0 : i32
    return %arg0, %c0_i32 : i32, i32
  }
  func.func @transform_3(%arg0: i32) -> (i32, i32) {
    %c0_i32 = arith.constant 0 : i32
    %c0_i32_0 = arith.constant 0 : i32
    return %arg0, %c0_i32 : i32, i32
  }
}

module attributes {stable_mosaic.version = 14 : i64} {
  func.func @_k5a_body(%arg0: i32, %arg1: memref<512x48xf32, #tpu.memory_space<vmem>>, %arg2: memref<512x96xf32, #tpu.memory_space<vmem>>, %arg3: memref<48x8xf32, #tpu.memory_space<vmem>>, %arg4: memref<96x8xf32, #tpu.memory_space<vmem>>, %arg5: memref<1x8xf32, #tpu.memory_space<vmem>>, %arg6: memref<512x8xf32, #tpu.memory_space<vmem>>) attributes {dimension_semantics = [#tpu.dimension_semantics<arbitrary>], iteration_bounds = array<i64: 20>, scalar_prefetch = 0 : i64, scratch_operands = 0 : i64, tpu.core_type = #tpu.core_type<tc>, window_params = [{transform_indices = @transform_0, window_bounds = array<i64: 512, 48>}, {transform_indices = @transform_1, window_bounds = array<i64: 512, 96>}, {pipeline_mode = #tpu.pipeline_mode<synchronous>, transform_indices = @transform_2, window_bounds = array<i64: 48, 8>}, {pipeline_mode = #tpu.pipeline_mode<synchronous>, transform_indices = @transform_3, window_bounds = array<i64: 96, 8>}, {pipeline_mode = #tpu.pipeline_mode<synchronous>, transform_indices = @transform_4, window_bounds = array<i64: 1, 8>}, {transform_indices = @transform_5, window_bounds = array<i64: 512, 8>}]} {
    %get3A = arith.constant 0 : index
    %get3A_0 = arith.constant 0 : index
    %get3A_1 = vector.load %arg1[%get3A, %get3A_0] : memref<512x48xf32, #tpu.memory_space<vmem>>, vector<512x48xf32>
    %get3A_2 = arith.constant 0 : index
    %get3A_3 = arith.constant 0 : index
    %get3A_4 = vector.load %arg3[%get3A_2, %get3A_3] : memref<48x8xf32, #tpu.memory_space<vmem>>, vector<48x8xf32>
    %dot_general3A = arith.constant dense<0.000000e+00> : vector<512x8xf32>
    %dot_general3A_5 = tpu.matmul %get3A_1, %get3A_4, %dot_general3A {dimension_numbers = #tpu.dot_dimension_numbers<[1], [0], [0], [1], [0, 0, 1, 1], [], []>, transpose_lhs_hint = false} : vector<512x48xf32>, vector<48x8xf32>, vector<512x8xf32> -> vector<512x8xf32>
    %get3A_6 = arith.constant 0 : index
    %get3A_7 = arith.constant 0 : index
    %get3A_8 = vector.load %arg2[%get3A_6, %get3A_7] : memref<512x96xf32, #tpu.memory_space<vmem>>, vector<512x96xf32>
    %get3A_9 = arith.constant 0 : index
    %get3A_10 = arith.constant 0 : index
    %get3A_11 = vector.load %arg4[%get3A_9, %get3A_10] : memref<96x8xf32, #tpu.memory_space<vmem>>, vector<96x8xf32>
    %dot_general3A_12 = arith.constant dense<0.000000e+00> : vector<512x8xf32>
    %dot_general3A_13 = tpu.matmul %get3A_8, %get3A_11, %dot_general3A_12 {dimension_numbers = #tpu.dot_dimension_numbers<[1], [0], [0], [1], [0, 0, 1, 1], [], []>, transpose_lhs_hint = false} : vector<512x96xf32>, vector<96x8xf32>, vector<512x8xf32> -> vector<512x8xf32>
    %add3A = arith.addf %dot_general3A_5, %dot_general3A_13 : vector<512x8xf32>
    %get3A_14 = arith.constant 0 : index
    %get3A_15 = arith.constant 0 : index
    %get3A_16 = vector.load %arg5[%get3A_14, %get3A_15] : memref<1x8xf32, #tpu.memory_space<vmem>>, vector<1x8xf32>
    %add3A_17 = vector.broadcast %get3A_16 : vector<1x8xf32> to vector<512x8xf32>
    %add3A_18 = arith.addf %add3A, %add3A_17 : vector<512x8xf32>
    %swap3A = arith.constant 0 : index
    %swap3A_19 = arith.constant 0 : index
    %swap3A_20 = vector.load %arg6[%swap3A, %swap3A_19] : memref<512x8xf32, #tpu.memory_space<vmem>>, vector<512x8xf32>
    tpu.vector_store %arg6[%swap3A, %swap3A_19], %add3A_18 {strides = array<i32>} : memref<512x8xf32, #tpu.memory_space<vmem>>, vector<512x8xf32>,
    return
  }
  func.func @transform_0(%arg0: i32) -> (i32, i32) {
    %c0_i32 = arith.constant 0 : i32
    %c0_i32_0 = arith.constant 0 : i32
    return %arg0, %c0_i32 : i32, i32
  }
  func.func @transform_1(%arg0: i32) -> (i32, i32) {
    %c0_i32 = arith.constant 0 : i32
    %c0_i32_0 = arith.constant 0 : i32
    return %arg0, %c0_i32 : i32, i32
  }
  func.func @transform_2(%arg0: i32) -> (i32, i32) {
    %c0_i32 = arith.constant 0 : i32
    %c0_i32_0 = arith.constant 0 : i32
    %c0_i32_1 = arith.constant 0 : i32
    return %c0_i32, %c0_i32_0 : i32, i32
  }
  func.func @transform_3(%arg0: i32) -> (i32, i32) {
    %c0_i32 = arith.constant 0 : i32
    %c0_i32_0 = arith.constant 0 : i32
    %c0_i32_1 = arith.constant 0 : i32
    return %c0_i32, %c0_i32_0 : i32, i32
  }
  func.func @transform_4(%arg0: i32) -> (i32, i32) {
    %c0_i32 = arith.constant 0 : i32
    %c0_i32_0 = arith.constant 0 : i32
    %c0_i32_1 = arith.constant 0 : i32
    return %c0_i32, %c0_i32_0 : i32, i32
  }
  func.func @transform_5(%arg0: i32) -> (i32, i32) {
    %c0_i32 = arith.constant 0 : i32
    %c0_i32_0 = arith.constant 0 : i32
    return %arg0, %c0_i32 : i32, i32
  }
}

module attributes {stable_mosaic.version = 14 : i64} {
  func.func @_k5b_body(%arg0: i32, %arg1: memref<512x8xf32, #tpu.memory_space<vmem>>, %arg2: memref<2x512x48xf32, #tpu.memory_space<vmem>>, %arg3: memref<512x48xf32, #tpu.memory_space<vmem>>, %arg4: memref<1x48xf32, #tpu.memory_space<vmem>>, %arg5: memref<48x8xf32, #tpu.memory_space<vmem>>, %arg6: memref<512x8xf32, #tpu.memory_space<vmem>>) attributes {dimension_semantics = [#tpu.dimension_semantics<arbitrary>], iteration_bounds = array<i64: 20>, scalar_prefetch = 0 : i64, scratch_operands = 0 : i64, tpu.core_type = #tpu.core_type<tc>, window_params = [{transform_indices = @transform_0, window_bounds = array<i64: 512, 8>}, {transform_indices = @transform_1, window_bounds = array<i64: 2, 512, 48>}, {transform_indices = @transform_2, window_bounds = array<i64: 512, 48>}, {pipeline_mode = #tpu.pipeline_mode<synchronous>, transform_indices = @transform_3, window_bounds = array<i64: 1, 48>}, {pipeline_mode = #tpu.pipeline_mode<synchronous>, transform_indices = @transform_4, window_bounds = array<i64: 48, 8>}, {transform_indices = @transform_5, window_bounds = array<i64: 512, 8>}]} {
    %get3A = arith.constant 0 : index
    %get3A_0 = arith.constant 0 : index
    %get3A_1 = arith.constant 0 : index
    %get3A_2 = vector.load %arg2[%get3A, %get3A_0, %get3A_1] : memref<2x512x48xf32, #tpu.memory_space<vmem>>, vector<1x512x48xf32>
    %get3A_3 = vector.shape_cast %get3A_2 : vector<1x512x48xf32> to vector<512x48xf32>
    %get3A_4 = arith.constant 1 : index
    %get3A_5 = arith.constant 0 : index
    %get3A_6 = arith.constant 0 : index
    %get3A_7 = vector.load %arg2[%get3A_4, %get3A_5, %get3A_6] : memref<2x512x48xf32, #tpu.memory_space<vmem>>, vector<1x512x48xf32>
    %get3A_8 = vector.shape_cast %get3A_7 : vector<1x512x48xf32> to vector<512x48xf32>
    %add3A = arith.addf %get3A_3, %get3A_8 : vector<512x48xf32>
    %get3A_9 = arith.constant 0 : index
    %get3A_10 = arith.constant 0 : index
    %get3A_11 = vector.load %arg3[%get3A_9, %get3A_10] : memref<512x48xf32, #tpu.memory_space<vmem>>, vector<512x48xf32>
    %mul3A = arith.mulf %add3A, %get3A_11 : vector<512x48xf32>
    %get3A_12 = arith.constant 0 : index
    %get3A_13 = arith.constant 0 : index
    %get3A_14 = vector.load %arg4[%get3A_12, %get3A_13] : memref<1x48xf32, #tpu.memory_space<vmem>>, vector<1x48xf32>
    %add3A_15 = vector.broadcast %get3A_14 : vector<1x48xf32> to vector<512x48xf32>
    %add3A_16 = arith.addf %mul3A, %add3A_15 : vector<512x48xf32>
    %max3A = arith.constant 0.000000e+00 : f32
    %max3A_17 = vector.broadcast %max3A : f32 to vector<512x48xf32>
    %max3A_18 = arith.maximumf %add3A_16, %max3A_17 : vector<512x48xf32>
    %get3A_19 = arith.constant 0 : index
    %get3A_20 = arith.constant 0 : index
    %get3A_21 = vector.load %arg1[%get3A_19, %get3A_20] : memref<512x8xf32, #tpu.memory_space<vmem>>, vector<512x8xf32>
    %get3A_22 = arith.constant 0 : index
    %get3A_23 = arith.constant 0 : index
    %get3A_24 = vector.load %arg5[%get3A_22, %get3A_23] : memref<48x8xf32, #tpu.memory_space<vmem>>, vector<48x8xf32>
    %dot_general3A = arith.constant dense<0.000000e+00> : vector<512x8xf32>
    %dot_general3A_25 = tpu.matmul %max3A_18, %get3A_24, %dot_general3A {dimension_numbers = #tpu.dot_dimension_numbers<[1], [0], [0], [1], [0, 0, 1, 1], [], []>, transpose_lhs_hint = false} : vector<512x48xf32>, vector<48x8xf32>, vector<512x8xf32> -> vector<512x8xf32>
    %add3A_26 = arith.addf %get3A_21, %dot_general3A_25 : vector<512x8xf32>
    %swap3A = arith.constant 0 : index
    %swap3A_27 = arith.constant 0 : index
    %swap3A_28 = vector.load %arg6[%swap3A, %swap3A_27] : memref<512x8xf32, #tpu.memory_space<vmem>>, vector<512x8xf32>
    tpu.vector_store %arg6[%swap3A, %swap3A_27], %add3A_26 {strides = array<i32>} : memref<512x8xf32, #tpu.memory_space<vmem>>, vector<512x8xf32>,
    return
  }
  func.func @transform_0(%arg0: i32) -> (i32, i32) {
    %c0_i32 = arith.constant 0 : i32
    %c0_i32_0 = arith.constant 0 : i32
    return %arg0, %c0_i32 : i32, i32
  }
  func.func @transform_1(%arg0: i32) -> (i32, i32, i32) {
    %c0_i32 = arith.constant 0 : i32
    %c0_i32_0 = arith.constant 0 : i32
    %c0_i32_1 = arith.constant 0 : i32
    return %c0_i32, %arg0, %c0_i32_0 : i32, i32, i32
  }
  func.func @transform_2(%arg0: i32) -> (i32, i32) {
    %c0_i32 = arith.constant 0 : i32
    %c0_i32_0 = arith.constant 0 : i32
    return %arg0, %c0_i32 : i32, i32
  }
  func.func @transform_3(%arg0: i32) -> (i32, i32) {
    %c0_i32 = arith.constant 0 : i32
    %c0_i32_0 = arith.constant 0 : i32
    %c0_i32_1 = arith.constant 0 : i32
    return %c0_i32, %c0_i32_0 : i32, i32
  }
  func.func @transform_4(%arg0: i32) -> (i32, i32) {
    %c0_i32 = arith.constant 0 : i32
    %c0_i32_0 = arith.constant 0 : i32
    %c0_i32_1 = arith.constant 0 : i32
    return %c0_i32, %c0_i32_0 : i32, i32
  }
  func.func @transform_5(%arg0: i32) -> (i32, i32) {
    %c0_i32 = arith.constant 0 : i32
    %c0_i32_0 = arith.constant 0 : i32
    return %arg0, %c0_i32 : i32, i32
  }
}

</mosaic_0001>

<sc_bundles>
// kernel: kernel.10.cloned.1.call-start
scs
__scs_entry_jumppad:
0x0: {  	(pc) =	sbr.rel $0x88, $3  }
0x1: {  	(tag) =	ssettag $0x0;
	lr =	simm.s32 $0x1  }
0x2: {  	[smem:$0x3F97] =	sst lr;
	_ =	strace $0xD0000000  }
0x3: {  	_ = 	snop  }
0x4: {  	_ = 	snop  }
0x5: {  	_ = 	snop  }
0x6: {  	_ = 	snop  }
0x7: {  	_ = 	snop  }
__scs_overlays_trampoline_lowered:
0x8: {  	[smem:$0x3FA6] =	sst s0  }
0x9: {  	[smem:$0x3FA7] =	sst s1  }
0xa: {  	[smem:$0x3FA8] =	sst s2  }
0xb: {  	[smem:$0x3FA9] =	sst s3  }
0xc: {  	[smem:$0x3FAA] =	sst s4  }
0xd: {  	[smem:$0x3FAB] =	sst s5  }
0xe: {  	[smem:$0x3FAC] =	sst s6  }
0xf: {  	[smem:$0x3FAD] =	sst s7  }
0x10: {  	[smem:$0x3FAE] =	sst s8  }
0x11: {  	[smem:$0x3FAF] =	sst s9;
	s0 =	simm.s32 @!p0 $0x0  }
0x12: {  	s1 =	sld [smem:$0x3F95];
	s0 =	simm.s32 @p0 $0x1  }
0x13: {  	[smem:$0x3FB0] =	sst s0;
	s0 =	simm.s32 @!p1 $0x0  }
0x14: {  	s2 =	sld [smem:$0x3F94];
	s0 =	simm.s32 @p1 $0x1  }
0x15: {  	[smem:$0x3FB1] =	sst s0;
	s0 =	simm.s32 @!p2 $0x0  }
0x16: {  	s3 =	sld [smem:$0x3FDB];
	s0 =	simm.s32 @p2 $0x1  }
0x17: {  	s4 =	simm.s32 $0x1BF5;
	[smem:$0x3FB3] =	sst s0  }
0x18: {  	s0 =	sld [smem:$0x3F96];
	_ =	swait.ge [sflag:s4], $0x0  }
0x19: {  	s7 =	sld [smem:$0x3F97]  }
0x1a: {  	s8 =	sadd.s32 $0xFFFFE003, lr  }
0x1b: {  	s9 =	sadd.s32 $0xFFFFFEF7, lr;
	s5 =	simm.s32 $0xFFFFFFFF;
	p2 =	slt.u32 s8, $0xFFFFF086  }
0x1c: {  	p1 =	slt.u32 s9, $0xF7A;
	s5 =	simm.s32 @!p2 $0x0  }
0x1d: {  	s5 =	simm.s32 @p1 $0x1;
	p0 =	seq.s32 s7, s2  }
0x1e: {  	s7 =	smul.u32 @!p0 $0xF7A, s2;
	p2 =	seq.s32 @!p0 s5, $0x0  }
0x1f: {  	s9 =	smul.u32 $0xF7A, s1;
	s8 =	simm.s32 @!p0 $0x1BF5;
	p2 =	por !p2, p0  }
0x20: {  	[sflag:s8] =	ssyncset.s32 @!p0 $0xFFFFF086;
	s6 =	sadd.s32 @!p0 s3, s7;
	s7 =	simm.s32 @!p0 $0x108  }
0x21: {  	s3 =	sadd.s32 s3, s9;
	s6 =	sadd.s32 @!p0 $0x88, s6;
	s7 =	simm.s32 @p2 $0x1082  }
0x22: {  	[simem:s7], [sflag:s8] =	dma.local @!p0 [hbm:s6], $0xF7A  }
0x23: {  	s9 =	sor.u32 $0xD0000000, s2;
	s6 =	simm.s32 $0x108;
	_ =	swait.ge @!p0 [sflag:s8], $0x0  }
0x24: {  	s3 =	sadd.s32 $0x88, s3;
	s6 =	simm.s32 @!p1 $0x1082;
	[sflag:s4] =	ssyncset.s32 $0xFFFFF086  }
0x25: {  	[simem:s6], [sflag:s4] =	dma.local [hbm:s3], $0xF7A  }
0x26: {  	[smem:$0x3F97] =	sst s1;
	(tag) =	ssettag s2;
	_ =	strace s9  }
0x27: {  	s1 =	sld [smem:$0x3FA7]  }
0x28: {  	s2 =	sld [smem:$0x3FA8]  }
0x29: {  	s4 =	sld [smem:$0x3FAA]  }
0x2a: {  	p0 =	seq.s32 s5, $0x0;
	s5 =	sld [smem:$0x3FAB]  }
0x2b: {  	s6 =	sld [smem:$0x3FAC]  }
0x2c: {  	s7 =	sld [smem:$0x3FAD]  }
0x2d: {  	s3 =	simm.s32 $0x108;
	s8 =	sld [smem:$0x3FAE]  }
0x2e: {  	s3 =	simm.s32 @!p0 $0x1082;
	s9 =	sld [smem:$0x3FAF]  }
0x2f: {  	lr =	sadd.s32 s0, s3;
	s0 =	sld [smem:$0x3FA6]  }
0x30: {  	s3 =	sld [smem:$0x3FA9]  }
0x31: {  	[smem:$0x3FB2] =	sst s10  }
0x32: {  	s10 =	sld [smem:$0x3FB0];
	_ =	sdelay $0x3  }
0x33: {  	p0 =	seq.s32 s10, $0x1;
	s10 =	sld [smem:$0x3FB2];
	_ =	sdelay $0x3  }
0x34: {  	[smem:$0x3FB2] =	sst s10  }
0x35: {  	s10 =	sld [smem:$0x3FB1];
	_ =	sdelay $0x3  }
0x36: {  	p1 =	seq.s32 s10, $0x1;
	s10 =	sld [smem:$0x3FB2];
	_ =	sdelay $0x3  }
0x37: {  	[smem:$0x3FB2] =	sst s10  }
0x38: {  	s10 =	sld [smem:$0x3FB3]  }
0x39: {  	_ = 	snop;
	(pc) =	sbr.ind lr, $3  }
0x3a: {  	_ = 	snop  }
0x3b: {  	_ = 	snop  }
0x3c: {  	p2 =	seq.s32 s10, $0x1;
	s10 =	sld [smem:$0x3FB2]  }
0x3d: {  	_ =	shalt  }
0x3e: {  	_ =	shalt  }
0x3f: {  	_ =	shalt  }
0x40: {  	_ =	shalt  }
0x41: {  	_ =	shalt  }
0x42: {  	_ =	shalt  }
0x43: {  	_ =	shalt  }
0x44: {  	_ =	shalt  }
0x45: {  	_ =	shalt  }
0x46: {  	_ =	shalt  }
0x47: {  	_ =	shalt  }
0x48: {  	_ =	shalt  }
0x49: {  	_ =	shalt  }
0x4a: {  	_ =	shalt  }
0x4b: {  	_ =	shalt  }
0x4c: {  	_ =	shalt  }
0x4d: {  	_ =	shalt  }
0x4e: {  	_ =	shalt  }
0x4f: {  	_ =	shalt  }
0x50: {  	_ =	shalt  }
0x51: {  	_ =	shalt  }
0x52: {  	_ =	shalt  }
0x53: {  	_ =	shalt  }
0x54: {  	_ =	shalt  }
0x55: {  	_ =	shalt  }
0x56: {  	_ =	shalt  }
0x57: {  	_ =	shalt  }
0x58: {  	_ =	shalt  }
0x59: {  	_ =	shalt  }
0x5a: {  	_ =	shalt  }
0x5b: {  	_ =	shalt  }
0x5c: {  	_ =	shalt  }
0x5d: {  	_ =	shalt  }
0x5e: {  	_ =	shalt  }
0x5f: {  	_ =	shalt  }
0x60: {  	_ =	shalt  }
0x61: {  	_ =	shalt  }
0x62: {  	_ =	shalt  }
0x63: {  	_ =	shalt  }
0x64: {  	_ =	shalt  }
0x65: {  	_ =	shalt  }
0x66: {  	_ =	shalt  }
0x67: {  	_ =	shalt  }
0x68: {  	_ =	shalt  }
0x69: {  	_ =	shalt  }
0x6a: {  	_ =	shalt  }
0x6b: {  	_ =	shalt  }
0x6c: {  	_ =	shalt  }
0x6d: {  	_ =	shalt  }
0x6e: {  	_ =	shalt  }
0x6f: {  	_ =	shalt  }
0x70: {  	_ =	shalt  }
0x71: {  	_ =	shalt  }
0x72: {  	_ =	shalt  }
0x73: {  	_ =	shalt  }
0x74: {  	_ =	shalt  }
0x75: {  	_ =	shalt  }
0x76: {  	_ =	shalt  }
0x77: {  	_ =	shalt  }
0x78: {  	_ =	shalt  }
0x79: {  	_ =	shalt  }
0x7a: {  	_ =	shalt  }
0x7b: {  	_ =	shalt  }
0x7c: {  	_ =	shalt  }
0x7d: {  	_ =	shalt  }
0x7e: {  	_ =	shalt  }
0x7f: {  	_ =	shalt  }
0x80: {  	_ =	shalt  }
0x81: {  	_ =	shalt  }
0x82: {  	_ =	shalt  }
0x83: {  	_ =	shalt  }
0x84: {  	_ =	shalt  }
0x85: {  	_ =	shalt  }
0x86: {  	_ =	shalt  }
0x87: {  	_ =	shalt  }
.Lfunc_end0:
.L_simem_size_0:
called_computation_lowered:
.L_overlay_start_0:
0x88: {  	s2 =	sld [smem:$0x3FD9]  }
0x89: {  	s3 =	sld [smem:$0x3FFE];
	_ =	sdelay $0x1  }
0x8a: {  	s1 =	srdreg.scid  }
0x8b: {  	s0 =	sand.u32 $0x1, s1  }
0x8c: {  	s16 =	sshll.u32 s0, $0xA;
	s2 =	sadd.s32 s3, s2  }
0x8d: {  	s2 =	sadd.s32 s2, s16  }
0x8e: {  	[smem:$0x3FBE] =	sst s2  }
0x8f: {  	_ = 	snop  }
0x90: {  	(tm) =	ssettm $0x1  }
0x91: {  	s17 =	sld [smem:$0x3FFB];
	_ =	sdelay $0x3  }
0x92: {  	_ =	strace s17  }
0x93: {  	s2 =	sld [smem:$0x3FFC];
	_ =	sdelay $0x3  }
0x94: {  	_ =	strace s2  }
0x95: {  	s2 =	sld [smem:$0x3FFD];
	_ =	sdelay $0x3  }
0x96: {  	_ =	strace s2  }
0x97: {  	_ =	strace $0x8FFFFFFF  }
0x98: {  	s18 =	sld [smem:$0x3FDB];
	_ =	sdelay $0x1  }
0x99: {  	s19 =	simm.s32 $_scs_section_size  }
0x9a: {  	s4 =	simm.s32 $_size__tile_overlayer_lowered;
	s5 =	simm.s32 $_tile_overlayer_lowered  }
0x9b: {  	s22 =	simm.s32 $0x1BFF;
	s21 =	sshll.u32 s5, $0x1;
	s2 =	sadd.s32 s19, s18  }
0x9c: {  	s6 =	simm.s32 $0x0;
	s20 =	sshll.u32 s4, $0x1;
	s4 =	sadd.s32 s21, s2  }
0x9d: {  	[timem:s6], [sflag:s22] =	dma.local [hbm:s4], s20  }
0x9e: {  	_ =	swait.ge [sflag:s22], s20  }
0x9f: {  	s3 =	ssub.s32 $0x0, s20;
	[sflag:s22] =	ssyncset.done $0x0  }
0xa0: {  	[sflag:s22] =	ssyncadd.s32 s3;
	_ =	sdelay $0x1  }
0xa1: {  	s23 =	simm.s32 $0x1B8B  }
0xa2: {  	_ =	swait.ge [sflag:s23], $0x1  }
0xa3: {  	[sflag:s23] =	ssyncset.done $0x0  }
0xa4: {  	s25 =	simm.s32 $0x1B8E;
	s24 =	sld [smem:$0x3FFE];
	[sflag:s23] =	ssyncadd.s32 $0xFFFFFFFF  }
0xa5: {  	s26 =	simm.s32 $execute0_lowered;
	[smem:$0x3FD2] =	sst s25  }
0xa6: {  	s4 =	sshll.u32 s26, $0x1;
	_ =	strace $0x80000046;
	[dreg:$0x1] =	wrdreg $0xFFFFFFFF  }
0xa7: {  	s28 =	simm.s32 $_size_execute0_lowered;
	s2 =	sadd.s32 s2, s4;
	[dreg:$0x0] =	wrdreg $0x0  }
0xa8: {  	s4 =	sshll.u32 s28, $0x1;
	[dreg:$0x2] =	wrdreg s2  }
0xa9: {  	[dreg:$0x3] =	wrdreg s4  }
0xaa: {  	[dreg:$0x4] =	wrdreg $0xC0  }
0xab: {  	_ =	task [dreg:s6], $0x5FFFF  }
0xac: {  	[dreg:$0x1] =	wrdreg $0xFFFFFFFF  }
0xad: {  	[dreg:$0x0] =	wrdreg $0x60  }
0xae: {  	[dreg:$0x2] =	wrdreg s24  }
0xaf: {  	[dreg:$0x3] =	wrdreg $0x0  }
0xb0: {  	[dreg:$0x4] =	wrdreg $0x9  }
0xb1: {  	_ =	task.clear_ibuf [dreg:s6], $0x5FFFF;
	_ =	strace $0x90000046  }
0xb2: {  	s29 =	simm.s32 $0x9;
	_ =	strace $0x80000048  }
0xb3: {  	_ =	swait.ge [sflag:s29], $0x1  }
0xb4: {  	[sflag:s29] =	ssyncadd.s32 $0xFFFFFFFF  }
0xb5: {  	_ =	strace $0x90000048  }
0xb6: {  	_ =	sfence  }
0xb7: {  	s30 =	sld [smem:$0x0];
	_ =	sdelay $0x2  }
0xb8: {  	s31 =	sshll.u32 s1, $0xD;
	s1 =	sshrl.u32 s1, $0x2  }
0xb9: {  	s3 =	sand.u32 $0x4000, s31;
	s1 =	sadd.s32 s1, s30  }
0xba: {  	s0 =	sor.u32 s3, s0;
	s1 =	sshll.u32 s1, $0x11  }
0xbb: {  	s0 =	sor.u32 s1, s0  }
0xbc: {  	s0 =	sadd.s32 $0x8F2B, s0  }
0xbd: {  	[sflag:s0] =	ssyncadd.remote.s32 $0x1  }
0xbe: {  	_ =	sfence.sel $0xFFFF  }
0xbf: {  	[dreg:$0x0] =	wrdreg $0xFFFFFFFF;
	(pc) =	sbr.abs _section_cstart, $3  }
0xc0: {  	[dreg:$0x1] =	wrdreg $0xFFFFFFFF  }
0xc1: {  	_ =	task.clear_ibuf [dreg:s6], $0x2FFFF;
	_ =	strace $0x9FFFFFFF  }
0xc2: {  	(tm) =	ssettm $0x7FFFFFFF  }
0xc3: {  	_ =	shalt  }
tec
execute0_lowered:
.L_overlay_start_1:
0x0: {  	(tag) =	ssettag $0x1  }
0x1: {  	s2 =	rddreg [dreg:$0x0]  }
0x2: {  	s3 =	rddreg [dreg:$0x1]  }
0x3: {  	s0 =	rddreg [dreg:$0x2];
	s1 =	stileid.u32  }
0x4: {  	s5 =	srdreg.scid;
	s4 =	simm.s32 $0x0;
	s16 =	simm.s32 $0x12080  }
0x5: {  	s17 =	simm.s32 $0x80;
	s18 =	simm.s32 $0x15100;
	s19 =	simm.s32 $0x18100  }
0x6: {  	s20 =	simm.s32 $0x1;
	s21 =	simm.s32 $0x2;
	s6 =	smul.u32 $0xF000, s1  }
0x7: {  	s13 =	sand.u32 $0x1, s5;
	[smem:$0x7FF] =	sst s4;
	s11 =	smul.u32 $0x1E80, s1  }
0x8: {  	s8 =	sadd.s32 $0x1E000, s2;
	s9 =	sadd.s32 $0x27E00, s2;
	s29 =	smul.u32 $0x610, s1  }
0x9: {  	s31 =	sshll.u32 s1, $0x6;
	s5 =	smul.u32 $0xF0000, s13;
	_ =	strace $0x80000047  }
0xa: {  	s10 =	ssub.s32 $0x2, s13;
	p0 =	seq.s32 s13, $0x0;
	s7 =	sshrl.u32 s6, $0x3  }
0xb: {  	s26 =	sshrl.u32 s10, $0x1;
	s28 =	sshrl.u32 s11, $0x3;
	s15 =	sadd.s32 s6, s3  }
0xc: {  	s5 =	sadd.s32 s6, s5;
	s7 =	sadd.s32 s7, s2;
	s14 =	ssub.s32 s10, s26  }
.Ltmp0:
0xd: {  	s30 =	sadd.s32 $0x6100, s28;
	s13 =	sshrl.u32 s15, $0x3;
	(pc) =	sbr.rel .LBB2_1-.Ltmp0, $4  }
0xe: {  	s15 =	simm.s32 $0xF000;
	s5 =	sshrl.u32 s5, $0x3;
	s6 =	sadd.s32 s8, s30  }
0xf: {  	s8 =	sadd.s32 s8, s29;
	s11 =	smax.u32 s14, $0x1;
	s14 =	simm.s32 $0x3  }
0x10: {  	s12 =	sadd.s32 s5, s2;
	s5 =	sadd.s32 $0x31C00, s7;
	s7 =	sadd.s32 s9, s30  }
0x11: {  	s9 =	sadd.s32 s9, s29;
	s10 =	sadd.s32 $0x4FC00, s12;
	s12 =	sor.u32 $0x1C03, s31  }
.LBB2_8:
0x12: {  	s23 =	sadd.s32 $0x12100, s22;
	[sflag:s14] =	ssyncadd.s32 @p1 $0xFFFFD000  }
0x13: {  	[tilespmem:s19], [sflag:$0x2] =	stream.indirect.gather [hbm4b:s2+s17], $0x60, s23, s17, $0xb8;
	[tilespmem:$0x1B100] =	vst v63  }
0x14: {  	_ =	swait.ge [sflag:s20], $0x3000  }
0x15: {  	[sflag:s20] =	ssyncset.done $0x0  }
0x16: {  	s29 =	sadd.s32 $0xF000, s22;
	[sflag:s20] =	ssyncadd.s32 $0xFFFFD000  }
0x17: {  	[spmem:s3] =	stream.indirect.scatter.add.f32 [tilespmem:s18], [sflag:$0x3], $0x60, s29, s17, $0xb8;
	[tilespmem:$0x1B100] =	vst v63  }
0x18: {  	_ =	swait.ge [sflag:s14], $0x3000  }
0x19: {  	[sflag:s14] =	ssyncset.done $0x0  }
0x1a: {  	s30 =	sadd.s32 $0x12180, s22;
	[sflag:s14] =	ssyncadd.s32 $0xFFFFD000  }
0x1b: {  	[tilespmem:s18], [sflag:$0x1] =	stream.indirect.gather [hbm4b:s2+s17], $0x60, s30, s17, $0xb8;
	[tilespmem:$0x1B100] =	vst v63  }
0x1c: {  	_ =	swait.ge [sflag:s21], $0x3000  }
0x1d: {  	[sflag:s21] =	ssyncset.done $0x0  }
0x1e: {  	s31 =	sadd.s32 $0xF080, s22;
	[sflag:s21] =	ssyncadd.s32 $0xFFFFD000  }
0x1f: {  	[spmem:s3] =	stream.indirect.scatter.add.f32 [tilespmem:s19], [sflag:$0x3], $0x60, s31, s17, $0xb8;
	[tilespmem:$0x1B100] =	vst v63  }
0x20: {  	_ =	swait.ge [sflag:s14], $0x3000  }
0x21: {  	[sflag:s14] =	ssyncset.done $0x0  }
0x22: {  	s22 =	simm.s32 $0x12000;
	[sflag:s14] =	ssyncadd.s32 $0xFFFFD000  }
.LBB2_9:
0x23: {  	_ =	swait.ge [sflag:s20], $0x3000  }
0x24: {  	[sflag:s20] =	ssyncset.done $0x0  }
0x25: {  	[sflag:s20] =	ssyncadd.s32 $0xFFFFD000  }
0x26: {  	[spmem:s3] =	stream.indirect.scatter.add.f32 [tilespmem:s18], [sflag:$0x3], $0x60, s22, s17, $0xb8;
	[tilespmem:$0x1B100] =	vst v63  }
0x27: {  	_ =	swait.ge [sflag:s14], $0x3000  }
0x28: {  	s4 =	sadd.s32 $0x1, s4;
	[sflag:s14] =	ssyncset.done $0x0  }
0x29: {  	p1 =	sne.s32 s4, s11;
	[sflag:s14] =	ssyncadd.s32 $0xFFFFD000  }
.Ltmp1:
0x2a: {  	[bflag:$0x0] =	sbarrier.arrive $0xFFFF;
	(pc) =	sbr.rel @!p1 .LBB2_10-.Ltmp1, $4  }
0x2b: {  	[hbm:s10], [sflag:s12] =	dma.local [spmem:s13], $0x1E00  }
0x2c: {  	_ =	swait.ge [sflag:s14], $0x1E00  }
0x2d: {  	[sflag:s14] =	ssyncset.done $0x0  }
0x2e: {  	[sflag:s14] =	ssyncadd.s32 $0xFFFFE200  }
.LBB2_1:
.Ltmp2:
0x2f: {  	(pc) =	sbr.rel @!p0 .LBB2_2-.Ltmp2, $4  }
0x30: {  	[spmem:s13], [sflag:s12] =	dma.local [hbm:s5], $0x1E00  }
0x31: {  	_ =	swait.ge [sflag:s14], $0x1E00  }
0x32: {  	[sflag:s14] =	ssyncset.done $0x0  }
0x33: {  	s22 =	simm.s32 $0x0;
	[sflag:s14] =	ssyncadd.s32 $0xFFFFE200  }
0x34: {  	[tilespmem:s15], [sflag:$0x3] =	stream.linear.gather [hbm4b:s8+s22], $0x3080, $0x38;
	[tilespmem:$0x1B100] =	vst v63  }
0x35: {  	_ =	swait.ge [sflag:s14], $0x3080  }
0x36: {  	[sflag:s14] =	ssyncset.done $0x0  }
0x37: {  	p2 =	por $0x0, $0x0;
	[sflag:s14] =	ssyncadd.s32 $0xFFFFCF80  }
0x38: {  	[tilespmem:s16], [sflag:$0x3] =	stream.linear.gather [hbm4b:s9+s22], $0x3080, $0x38;
	[tilespmem:$0x1B100] =	vst v63  }
.Ltmp3:
0x39: {  	_ =	swait.ge [sflag:s14], $0x3080;
	(pc) =	sbr.rel @p2 .LBB2_8-.Ltmp3, $4  }
0x3a: {  	[sflag:s14] =	ssyncset.done $0x0  }
0x3b: {  	[sflag:s14] =	ssyncadd.s32 $0xFFFFCF80  }
0x3c: {  	p1 =	por $0x0, $0x0;
	s22 =	simm.s32 $0x0;
	[bflag:$0x0] =	sbarrier.arrive $0xFFFF  }
0x3d: {  	[tilespmem:s18], [sflag:$0x1] =	stream.indirect.gather [hbm4b:s2+s17], $0x60, s16, s17, $0xb8;
	[tilespmem:$0x1B100] =	vst v63  }
0x3e: {  	s22 =	simm.s32 $0x12100  }
0x3f: {  	[tilespmem:s19], [sflag:$0x2] =	stream.indirect.gather [hbm4b:s2+s17], $0x60, s22, s17, $0xb8;
	[tilespmem:$0x1B100] =	vst v63  }
0x40: {  	_ =	swait.ge [sflag:s20], $0x3000  }
0x41: {  	[sflag:s20] =	ssyncset.done $0x0  }
0x42: {  	s29 =	simm.s32 $0xF000;
	[sflag:s20] =	ssyncadd.s32 $0xFFFFD000  }
0x43: {  	[spmem:s3] =	stream.indirect.scatter.add.f32 [tilespmem:s18], [sflag:$0x3], $0x60, s29, s17, $0xb8;
	[tilespmem:$0x1B100] =	vst v63  }
0x44: {  	_ =	swait.ge [sflag:s14], $0x3000  }
0x45: {  	[sflag:s14] =	ssyncset.done $0x0  }
0x46: {  	s30 =	simm.s32 $0x12180;
	[sflag:s14] =	ssyncadd.s32 $0xFFFFD000  }
0x47: {  	[tilespmem:s18], [sflag:$0x1] =	stream.indirect.gather [hbm4b:s2+s17], $0x60, s30, s17, $0xb8;
	[tilespmem:$0x1B100] =	vst v63  }
0x48: {  	p2 =	por $0x0, $0x0;
	_ =	swait.ge [sflag:s21], $0x3000  }
.Ltmp4:
0x49: {  	[sflag:s21] =	ssyncset.done $0x0;
	(pc) =	sbr.rel @p2 .LBB2_8-.Ltmp4, $4  }
0x4a: {  	s31 =	simm.s32 $0xF080;
	[sflag:s21] =	ssyncadd.s32 $0xFFFFD000  }
0x4b: {  	[spmem:s3] =	stream.indirect.scatter.add.f32 [tilespmem:s19], [sflag:$0x3], $0x60, s31, s17, $0xb8;
	[tilespmem:$0x1B100] =	vst v63  }
0x4c: {  	s23 =	simm.s32 $0x800;
	_ =	swait.ge [sflag:s14], $0x3000  }
0x4d: {  	p1 =	por $0x1, $0x1;
	s22 =	simm.s32 $0x100;
	[sflag:s14] =	ssyncset.done $0x0  }
.LBB2_7:
0x4e: {  	s24 =	sadd.s32 $0x12100, s22  }
0x4f: {  	[sflag:s14] =	ssyncadd.s32 $0xFFFFD000;
	s25 =	smov.u32 s23;
	s26 =	sadd.s32 $0x400, s23  }
0x50: {  	[tilespmem:s19], [sflag:$0x2] =	stream.indirect.gather [hbm4b:s2+s17], $0x60, s24, s17, $0xb8;
	[tilespmem:$0x1B100] =	vst v63  }
0x51: {  	p2 =	seq.s32 s23, $0xBC00;
	_ =	swait.ge [sflag:s20], $0x3000  }
0x52: {  	[sflag:s20] =	ssyncset.done $0x0  }
0x53: {  	s23 =	sadd.s32 $0xF000, s22;
	[sflag:s20] =	ssyncadd.s32 $0xFFFFD000  }
0x54: {  	[spmem:s3] =	stream.indirect.scatter.add.f32 [tilespmem:s18], [sflag:$0x3], $0x60, s23, s17, $0xb8;
	[tilespmem:$0x1B100] =	vst v63  }
0x55: {  	_ =	swait.ge [sflag:s14], $0x3000  }
0x56: {  	[sflag:s14] =	ssyncset.done $0x0  }
0x57: {  	s23 =	sadd.s32 $0x12180, s22;
	[sflag:s14] =	ssyncadd.s32 $0xFFFFD000  }
0x58: {  	[tilespmem:s18], [sflag:$0x1] =	stream.indirect.gather [hbm4b:s2+s17], $0x60, s23, s17, $0xb8;
	[tilespmem:$0x1B100] =	vst v63  }
0x59: {  	_ =	swait.ge [sflag:s21], $0x3000  }
.Ltmp5:
0x5a: {  	[sflag:s21] =	ssyncset.done $0x0;
	(pc) =	sbr.rel @!p2 .LBB2_7-.Ltmp5, $4  }
0x5b: {  	s22 =	sadd.s32 $0xF080, s22;
	[sflag:s21] =	ssyncadd.s32 $0xFFFFD000  }
0x5c: {  	[spmem:s3] =	stream.indirect.scatter.add.f32 [tilespmem:s19], [sflag:$0x3], $0x60, s22, s17, $0xb8;
	[tilespmem:$0x1B100] =	vst v63  }
0x5d: {  	_ =	swait.ge [sflag:s14], $0x3000  }
0x5e: {  	s23 =	smov.u32 s26;
	s22 =	sshra.s32 s25, $0x2;
	[sflag:s14] =	ssyncset.done $0x0  }
.Ltmp6:
0x5f: {  	_ = 	snop;
	(pc) =	sbr.rel .LBB2_8-.Ltmp6, $1  }
0x60: {  	_ =	sdelay $0x3  }
.LBB2_2:
0x61: {  	[tilespmem:s15], [sflag:$0x3] =	stream.linear.gather [hbm4b:s6+s22], $0x1E80, $0x38;
	[tilespmem:$0x1B100] =	vst v63  }
0x62: {  	_ =	swait.ge [sflag:s14], $0x1E80  }
0x63: {  	[sflag:s14] =	ssyncset.done $0x0  }
0x64: {  	[sflag:s14] =	ssyncadd.s32 $0xFFFFE180  }
0x65: {  	[tilespmem:s16], [sflag:$0x3] =	stream.linear.gather [hbm4b:s7+s22], $0x1E80, $0x38;
	[tilespmem:$0x1B100] =	vst v63  }
0x66: {  	_ =	swait.ge [sflag:s14], $0x1E80  }
0x67: {  	[sflag:s14] =	ssyncset.done $0x0  }
0x68: {  	[sflag:s14] =	ssyncadd.s32 $0xFFFFE180  }
0x69: {  	[bflag:$0x0] =	sbarrier.arrive $0xFFFF  }
0x6a: {  	[tilespmem:s18], [sflag:$0x1] =	stream.indirect.gather [hbm4b:s2+s17], $0x60, s16, s17, $0xb8;
	[tilespmem:$0x1B100] =	vst v63  }
0x6b: {  	s28 =	simm.s32 $0x12100  }
0x6c: {  	[tilespmem:s19], [sflag:$0x2] =	stream.indirect.gather [hbm4b:s2+s17], $0x60, s28, s17, $0xb8;
	[tilespmem:$0x1B100] =	vst v63  }
0x6d: {  	_ =	swait.ge [sflag:s20], $0x3000  }
0x6e: {  	[sflag:s20] =	ssyncset.done $0x0  }
0x6f: {  	s29 =	simm.s32 $0xF000;
	[sflag:s20] =	ssyncadd.s32 $0xFFFFD000  }
0x70: {  	[spmem:s3] =	stream.indirect.scatter.add.f32 [tilespmem:s18], [sflag:$0x3], $0x60, s29, s17, $0xb8;
	[tilespmem:$0x1B100] =	vst v63  }
0x71: {  	_ =	swait.ge [sflag:s14], $0x3000  }
0x72: {  	[sflag:s14] =	ssyncset.done $0x0  }
0x73: {  	s30 =	simm.s32 $0x12180;
	[sflag:s14] =	ssyncadd.s32 $0xFFFFD000  }
0x74: {  	[tilespmem:s18], [sflag:$0x1] =	stream.indirect.gather [hbm4b:s2+s17], $0x60, s30, s17, $0xb8;
	[tilespmem:$0x1B100] =	vst v63  }
0x75: {  	_ =	swait.ge [sflag:s21], $0x3000  }
0x76: {  	[sflag:s21] =	ssyncset.done $0x0  }
0x77: {  	s31 =	simm.s32 $0xF080;
	[sflag:s21] =	ssyncadd.s32 $0xFFFFD000  }
0x78: {  	[spmem:s3] =	stream.indirect.scatter.add.f32 [tilespmem:s19], [sflag:$0x3], $0x60, s31, s17, $0xb8;
	[tilespmem:$0x1B100] =	vst v63  }
0x79: {  	_ =	swait.ge [sflag:s14], $0x3000  }
0x7a: {  	s23 =	simm.s32 $0x800;
	s22 =	simm.s32 $0x100;
	[sflag:s14] =	ssyncset.done $0x0  }
.LBB2_3:
0x7b: {  	s24 =	sadd.s32 $0x12100, s22  }
0x7c: {  	[sflag:s14] =	ssyncadd.s32 $0xFFFFD000;
	s25 =	smov.u32 s23;
	s26 =	sadd.s32 $0x400, s23  }
0x7d: {  	[tilespmem:s19], [sflag:$0x2] =	stream.indirect.gather [hbm4b:s2+s17], $0x60, s24, s17, $0xb8;
	[tilespmem:$0x1B100] =	vst v63  }
0x7e: {  	p1 =	sne.s32 s23, $0x7400;
	_ =	swait.ge [sflag:s20], $0x3000  }
0x7f: {  	[sflag:s20] =	ssyncset.done $0x0  }
0x80: {  	s23 =	sadd.s32 $0xF000, s22;
	[sflag:s20] =	ssyncadd.s32 $0xFFFFD000  }
0x81: {  	[spmem:s3] =	stream.indirect.scatter.add.f32 [tilespmem:s18], [sflag:$0x3], $0x60, s23, s17, $0xb8;
	[tilespmem:$0x1B100] =	vst v63  }
0x82: {  	_ =	swait.ge [sflag:s14], $0x3000  }
0x83: {  	[sflag:s14] =	ssyncset.done $0x0  }
0x84: {  	s23 =	sadd.s32 $0x12180, s22;
	[sflag:s14] =	ssyncadd.s32 $0xFFFFD000  }
0x85: {  	[tilespmem:s18], [sflag:$0x1] =	stream.indirect.gather [hbm4b:s2+s17], $0x60, s23, s17, $0xb8;
	[tilespmem:$0x1B100] =	vst v63  }
0x86: {  	_ =	swait.ge [sflag:s21], $0x3000  }
.Ltmp7:
0x87: {  	[sflag:s21] =	ssyncset.done $0x0;
	(pc) =	sbr.rel @p1 .LBB2_3-.Ltmp7, $4  }
0x88: {  	s22 =	sadd.s32 $0xF080, s22;
	[sflag:s21] =	ssyncadd.s32 $0xFFFFD000  }
0x89: {  	[spmem:s3] =	stream.indirect.scatter.add.f32 [tilespmem:s19], [sflag:$0x3], $0x60, s22, s17, $0xb8;
	[tilespmem:$0x1B100] =	vst v63  }
0x8a: {  	_ =	swait.ge [sflag:s14], $0x3000  }
0x8b: {  	s23 =	smov.u32 s26;
	s22 =	sshra.s32 s25, $0x2;
	[sflag:s14] =	ssyncset.done $0x0  }
0x8c: {  	s23 =	sadd.s32 $0x12100, s22;
	[sflag:s14] =	ssyncadd.s32 $0xFFFFD000  }
0x8d: {  	[tilespmem:s19], [sflag:$0x2] =	stream.indirect.gather [hbm4b:s2+s17], $0x60, s23, s17, $0xb8;
	[tilespmem:$0x1B100] =	vst v63  }
0x8e: {  	_ =	swait.ge [sflag:s20], $0x3000  }
0x8f: {  	[sflag:s20] =	ssyncset.done $0x0  }
0x90: {  	s29 =	sadd.s32 $0xF000, s22;
	[sflag:s20] =	ssyncadd.s32 $0xFFFFD000  }
0x91: {  	[spmem:s3] =	stream.indirect.scatter.add.f32 [tilespmem:s18], [sflag:$0x3], $0x60, s29, s17, $0xb8;
	[tilespmem:$0x1B100] =	vst v63  }
0x92: {  	_ =	swait.ge [sflag:s14], $0x3000  }
0x93: {  	[sflag:s14] =	ssyncset.done $0x0  }
0x94: {  	s30 =	sadd.s32 $0x12180, s22;
	[sflag:s14] =	ssyncadd.s32 $0xFFFFD000  }
0x95: {  	[tilespmem:s18], [sflag:$0x1] =	stream.indirect.gather [hbm4b:s2+s17], $0x60, s30, s17, $0xb8;
	[tilespmem:$0x1B100] =	vst v63  }
0x96: {  	_ =	swait.ge [sflag:s21], $0x3000  }
0x97: {  	[sflag:s21] =	ssyncset.done $0x0  }
.Ltmp8:
0x98: {  	s31 =	sadd.s32 $0xF080, s22;
	[sflag:s21] =	ssyncadd.s32 $0xFFFFD000;
	(pc) =	sbr.rel .LBB2_9-.Ltmp8, $4  }
0x99: {  	[spmem:s3] =	stream.indirect.scatter.add.f32 [tilespmem:s19], [sflag:$0x3], $0x60, s31, s17, $0xb8;
	[tilespmem:$0x1B100] =	vst v63  }
0x9a: {  	_ =	swait.ge [sflag:s14], $0x3000  }
0x9b: {  	[sflag:s14] =	ssyncset.done $0x0  }
0x9c: {  	s22 =	simm.s32 $0x10E00;
	[sflag:s14] =	ssyncadd.s32 $0xFFFFD000  }
.LBB2_10:
0x9d: {  	_ =	sfence.sel $0x180000  }
0x9e: {  	[bflag:$0x0] =	sbarrier.arrive $0xFFFF  }
0x9f: {  	p0 =	sne.s32 s1, $0x0;
	_ =	strace $0x90000047  }
0xa0: {  	s0 =	sadd.s32 @!p0 $0x100000, s0;
	[bflag:$0x2] =	sbarrier.arrive $0xFFFF  }
0xa1: {  	[sflag:s0] =	ssyncadd.tile.s32 @!p0 $0x1;
	_ =	shalt  }
.Lfunc_end2:
_tile_overlayer_lowered:
.L_overlay_start_2:
0xa2: {  	(tag) =	ssettag $0x2  }
0xa3: {  	s0 =	rddreg [dreg:$0x0];
	s2 =	stileid.u32  }
0xa4: {  	s1 =	rddreg [dreg:$0x1];
	p0 =	sne.s32 s2, $0x0  }
0xa5: {  	s3 =	rddreg [dreg:$0x2];
	[bflag:$0x3] =	sbarrier.arrive $0xFFFF;
	s2 =	simm.s32 @!p0 $0x1C03  }
0xa6: {  	[timem:s3], [sflag:s2] =	dma.local @!p0 [hbm:s0], s1  }
0xa7: {  	s0 =	simm.s32 @!p0 $0x3  }
0xa8: {  	_ =	swait.ge @!p0 [sflag:s0], s1  }
0xa9: {  	s1 =	ssub.s32 @!p0 $0x0, s1;
	[sflag:s0] =	ssyncset.done @!p0 $0x0  }
0xaa: {  	[sflag:s0] =	ssyncadd.s32 @!p0 s1  }
0xab: {  	[bflag:$0x3] =	sbarrier.arrive $0xFFFF  }
0xac: {  	_ =	shalt  }

// kernel: kernel.13.cloned.1.call-start
scs
__scs_entry_jumppad:
0x0: {  	(pc) =	sbr.rel $0x88, $3  }
0x1: {  	(tag) =	ssettag $0x0;
	lr =	simm.s32 $0x1  }
0x2: {  	[smem:$0x3F97] =	sst lr;
	_ =	strace $0xD0000000  }
0x3: {  	_ = 	snop  }
0x4: {  	_ = 	snop  }
0x5: {  	_ = 	snop  }
0x6: {  	_ = 	snop  }
0x7: {  	_ = 	snop  }
__scs_overlays_trampoline_lowered:
0x8: {  	[smem:$0x3FA6] =	sst s0  }
0x9: {  	[smem:$0x3FA7] =	sst s1  }
0xa: {  	[smem:$0x3FA8] =	sst s2  }
0xb: {  	[smem:$0x3FA9] =	sst s3  }
0xc: {  	[smem:$0x3FAA] =	sst s4  }
0xd: {  	[smem:$0x3FAB] =	sst s5  }
0xe: {  	[smem:$0x3FAC] =	sst s6  }
0xf: {  	[smem:$0x3FAD] =	sst s7  }
0x10: {  	[smem:$0x3FAE] =	sst s8  }
0x11: {  	[smem:$0x3FAF] =	sst s9;
	s0 =	simm.s32 @!p0 $0x0  }
0x12: {  	s1 =	sld [smem:$0x3F95];
	s0 =	simm.s32 @p0 $0x1  }
0x13: {  	[smem:$0x3FB0] =	sst s0;
	s0 =	simm.s32 @!p1 $0x0  }
0x14: {  	s2 =	sld [smem:$0x3F94];
	s0 =	simm.s32 @p1 $0x1  }
0x15: {  	[smem:$0x3FB1] =	sst s0;
	s0 =	simm.s32 @!p2 $0x0  }
0x16: {  	s3 =	sld [smem:$0x3FDB];
	s0 =	simm.s32 @p2 $0x1  }
0x17: {  	s4 =	simm.s32 $0x1BF5;
	[smem:$0x3FB3] =	sst s0  }
0x18: {  	s0 =	sld [smem:$0x3F96];
	_ =	swait.ge [sflag:s4], $0x0  }
0x19: {  	s7 =	sld [smem:$0x3F97]  }
0x1a: {  	s8 =	sadd.s32 $0xFFFFE003, lr  }
0x1b: {  	s9 =	sadd.s32 $0xFFFFFEF7, lr;
	s5 =	simm.s32 $0xFFFFFFFF;
	p2 =	slt.u32 s8, $0xFFFFF086  }
0x1c: {  	p1 =	slt.u32 s9, $0xF7A;
	s5 =	simm.s32 @!p2 $0x0  }
0x1d: {  	s5 =	simm.s32 @p1 $0x1;
	p0 =	seq.s32 s7, s2  }
0x1e: {  	s7 =	smul.u32 @!p0 $0xF7A, s2;
	p2 =	seq.s32 @!p0 s5, $0x0  }
0x1f: {  	s9 =	smul.u32 $0xF7A, s1;
	s8 =	simm.s32 @!p0 $0x1BF5;
	p2 =	por !p2, p0  }
0x20: {  	[sflag:s8] =	ssyncset.s32 @!p0 $0xFFFFF086;
	s6 =	sadd.s32 @!p0 s3, s7;
	s7 =	simm.s32 @!p0 $0x108  }
0x21: {  	s3 =	sadd.s32 s3, s9;
	s6 =	sadd.s32 @!p0 $0x88, s6;
	s7 =	simm.s32 @p2 $0x1082  }
0x22: {  	[simem:s7], [sflag:s8] =	dma.local @!p0 [hbm:s6], $0xF7A  }
0x23: {  	s9 =	sor.u32 $0xD0000000, s2;
	s6 =	simm.s32 $0x108;
	_ =	swait.ge @!p0 [sflag:s8], $0x0  }
0x24: {  	s3 =	sadd.s32 $0x88, s3;
	s6 =	simm.s32 @!p1 $0x1082;
	[sflag:s4] =	ssyncset.s32 $0xFFFFF086  }
0x25: {  	[simem:s6], [sflag:s4] =	dma.local [hbm:s3], $0xF7A  }
0x26: {  	[smem:$0x3F97] =	sst s1;
	(tag) =	ssettag s2;
	_ =	strace s9  }
0x27: {  	s1 =	sld [smem:$0x3FA7]  }
0x28: {  	s2 =	sld [smem:$0x3FA8]  }
0x29: {  	s4 =	sld [smem:$0x3FAA]  }
0x2a: {  	p0 =	seq.s32 s5, $0x0;
	s5 =	sld [smem:$0x3FAB]  }
0x2b: {  	s6 =	sld [smem:$0x3FAC]  }
0x2c: {  	s7 =	sld [smem:$0x3FAD]  }
0x2d: {  	s3 =	simm.s32 $0x108;
	s8 =	sld [smem:$0x3FAE]  }
0x2e: {  	s3 =	simm.s32 @!p0 $0x1082;
	s9 =	sld [smem:$0x3FAF]  }
0x2f: {  	lr =	sadd.s32 s0, s3;
	s0 =	sld [smem:$0x3FA6]  }
0x30: {  	s3 =	sld [smem:$0x3FA9]  }
0x31: {  	[smem:$0x3FB2] =	sst s10  }
0x32: {  	s10 =	sld [smem:$0x3FB0];
	_ =	sdelay $0x3  }
0x33: {  	p0 =	seq.s32 s10, $0x1;
	s10 =	sld [smem:$0x3FB2];
	_ =	sdelay $0x3  }
0x34: {  	[smem:$0x3FB2] =	sst s10  }
0x35: {  	s10 =	sld [smem:$0x3FB1];
	_ =	sdelay $0x3  }
0x36: {  	p1 =	seq.s32 s10, $0x1;
	s10 =	sld [smem:$0x3FB2];
	_ =	sdelay $0x3  }
0x37: {  	[smem:$0x3FB2] =	sst s10  }
0x38: {  	s10 =	sld [smem:$0x3FB3]  }
0x39: {  	_ = 	snop;
	(pc) =	sbr.ind lr, $3  }
0x3a: {  	_ = 	snop  }
0x3b: {  	_ = 	snop  }
0x3c: {  	p2 =	seq.s32 s10, $0x1;
	s10 =	sld [smem:$0x3FB2]  }
0x3d: {  	_ =	shalt  }
0x3e: {  	_ =	shalt  }
0x3f: {  	_ =	shalt  }
0x40: {  	_ =	shalt  }
0x41: {  	_ =	shalt  }
0x42: {  	_ =	shalt  }
0x43: {  	_ =	shalt  }
0x44: {  	_ =	shalt  }
0x45: {  	_ =	shalt  }
0x46: {  	_ =	shalt  }
0x47: {  	_ =	shalt  }
0x48: {  	_ =	shalt  }
0x49: {  	_ =	shalt  }
0x4a: {  	_ =	shalt  }
0x4b: {  	_ =	shalt  }
0x4c: {  	_ =	shalt  }
0x4d: {  	_ =	shalt  }
0x4e: {  	_ =	shalt  }
0x4f: {  	_ =	shalt  }
0x50: {  	_ =	shalt  }
0x51: {  	_ =	shalt  }
0x52: {  	_ =	shalt  }
0x53: {  	_ =	shalt  }
0x54: {  	_ =	shalt  }
0x55: {  	_ =	shalt  }
0x56: {  	_ =	shalt  }
0x57: {  	_ =	shalt  }
0x58: {  	_ =	shalt  }
0x59: {  	_ =	shalt  }
0x5a: {  	_ =	shalt  }
0x5b: {  	_ =	shalt  }
0x5c: {  	_ =	shalt  }
0x5d: {  	_ =	shalt  }
0x5e: {  	_ =	shalt  }
0x5f: {  	_ =	shalt  }
0x60: {  	_ =	shalt  }
0x61: {  	_ =	shalt  }
0x62: {  	_ =	shalt  }
0x63: {  	_ =	shalt  }
0x64: {  	_ =	shalt  }
0x65: {  	_ =	shalt  }
0x66: {  	_ =	shalt  }
0x67: {  	_ =	shalt  }
0x68: {  	_ =	shalt  }
0x69: {  	_ =	shalt  }
0x6a: {  	_ =	shalt  }
0x6b: {  	_ =	shalt  }
0x6c: {  	_ =	shalt  }
0x6d: {  	_ =	shalt  }
0x6e: {  	_ =	shalt  }
0x6f: {  	_ =	shalt  }
0x70: {  	_ =	shalt  }
0x71: {  	_ =	shalt  }
0x72: {  	_ =	shalt  }
0x73: {  	_ =	shalt  }
0x74: {  	_ =	shalt  }
0x75: {  	_ =	shalt  }
0x76: {  	_ =	shalt  }
0x77: {  	_ =	shalt  }
0x78: {  	_ =	shalt  }
0x79: {  	_ =	shalt  }
0x7a: {  	_ =	shalt  }
0x7b: {  	_ =	shalt  }
0x7c: {  	_ =	shalt  }
0x7d: {  	_ =	shalt  }
0x7e: {  	_ =	shalt  }
0x7f: {  	_ =	shalt  }
0x80: {  	_ =	shalt  }
0x81: {  	_ =	shalt  }
0x82: {  	_ =	shalt  }
0x83: {  	_ =	shalt  }
0x84: {  	_ =	shalt  }
0x85: {  	_ =	shalt  }
0x86: {  	_ =	shalt  }
0x87: {  	_ =	shalt  }
.Lfunc_end0:
.L_simem_size_0:
called_computation.1_lowered:
.L_overlay_start_0:
0x88: {  	s2 =	sld [smem:$0x3FD9]  }
0x89: {  	s3 =	sld [smem:$0x3FFE];
	_ =	sdelay $0x1  }
0x8a: {  	s1 =	srdreg.scid  }
0x8b: {  	s0 =	sand.u32 $0x1, s1  }
0x8c: {  	s16 =	sshll.u32 s0, $0xA;
	s2 =	sadd.s32 s3, s2  }
0x8d: {  	s2 =	sadd.s32 s2, s16  }
0x8e: {  	[smem:$0x3FBE] =	sst s2  }
0x8f: {  	_ = 	snop  }
0x90: {  	(tm) =	ssettm $0x1  }
0x91: {  	s17 =	sld [smem:$0x3FFB];
	_ =	sdelay $0x3  }
0x92: {  	_ =	strace s17  }
0x93: {  	s2 =	sld [smem:$0x3FFC];
	_ =	sdelay $0x3  }
0x94: {  	_ =	strace s2  }
0x95: {  	s2 =	sld [smem:$0x3FFD];
	_ =	sdelay $0x3  }
0x96: {  	_ =	strace s2  }
0x97: {  	_ =	strace $0x8FFFFFFF  }
0x98: {  	s18 =	sld [smem:$0x3FDB];
	_ =	sdelay $0x1  }
0x99: {  	s19 =	simm.s32 $_scs_section_size  }
0x9a: {  	s4 =	simm.s32 $_size__tile_overlayer_lowered;
	s5 =	simm.s32 $_tile_overlayer_lowered  }
0x9b: {  	s22 =	simm.s32 $0x1BFF;
	s21 =	sshll.u32 s5, $0x1;
	s2 =	sadd.s32 s19, s18  }
0x9c: {  	s6 =	simm.s32 $0x0;
	s20 =	sshll.u32 s4, $0x1;
	s4 =	sadd.s32 s21, s2  }
0x9d: {  	[timem:s6], [sflag:s22] =	dma.local [hbm:s4], s20  }
0x9e: {  	_ =	swait.ge [sflag:s22], s20  }
0x9f: {  	s3 =	ssub.s32 $0x0, s20;
	[sflag:s22] =	ssyncset.done $0x0  }
0xa0: {  	[sflag:s22] =	ssyncadd.s32 s3;
	_ =	sdelay $0x1  }
0xa1: {  	s23 =	simm.s32 $0x1B8B  }
0xa2: {  	_ =	swait.ge [sflag:s23], $0x1  }
0xa3: {  	[sflag:s23] =	ssyncset.done $0x0  }
0xa4: {  	s25 =	simm.s32 $0x1B8E;
	s24 =	sld [smem:$0x3FFE];
	[sflag:s23] =	ssyncadd.s32 $0xFFFFFFFF  }
0xa5: {  	s26 =	simm.s32 $execute0_lowered;
	[smem:$0x3FD2] =	sst s25  }
0xa6: {  	s4 =	sshll.u32 s26, $0x1;
	_ =	strace $0x80000049;
	[dreg:$0x1] =	wrdreg $0xFFFFFFFF  }
0xa7: {  	s28 =	simm.s32 $_size_execute0_lowered;
	s2 =	sadd.s32 s2, s4;
	[dreg:$0x0] =	wrdreg $0x0  }
0xa8: {  	s4 =	sshll.u32 s28, $0x1;
	[dreg:$0x2] =	wrdreg s2  }
0xa9: {  	[dreg:$0x3] =	wrdreg s4  }
0xaa: {  	[dreg:$0x4] =	wrdreg $0xC0  }
0xab: {  	_ =	task [dreg:s6], $0x5FFFF  }
0xac: {  	[dreg:$0x1] =	wrdreg $0xFFFFFFFF  }
0xad: {  	[dreg:$0x0] =	wrdreg $0x60  }
0xae: {  	[dreg:$0x2] =	wrdreg s24  }
0xaf: {  	[dreg:$0x3] =	wrdreg $0x9  }
0xb0: {  	_ =	task.clear_ibuf [dreg:s6], $0x4FFFF;
	_ =	strace $0x90000049  }
0xb1: {  	s29 =	simm.s32 $0x9;
	_ =	strace $0x8000004B  }
0xb2: {  	_ =	swait.ge [sflag:s29], $0x1  }
0xb3: {  	[sflag:s29] =	ssyncadd.s32 $0xFFFFFFFF  }
0xb4: {  	_ =	strace $0x9000004B  }
0xb5: {  	_ =	sfence  }
0xb6: {  	s30 =	sld [smem:$0x0];
	_ =	sdelay $0x2  }
0xb7: {  	s31 =	sshll.u32 s1, $0xD;
	s1 =	sshrl.u32 s1, $0x2  }
0xb8: {  	s3 =	sand.u32 $0x4000, s31;
	s1 =	sadd.s32 s1, s30  }
0xb9: {  	s0 =	sor.u32 s3, s0;
	s1 =	sshll.u32 s1, $0x11  }
0xba: {  	s0 =	sor.u32 s1, s0  }
0xbb: {  	s0 =	sadd.s32 $0x8F2B, s0  }
0xbc: {  	[sflag:s0] =	ssyncadd.remote.s32 $0x1  }
0xbd: {  	_ =	sfence.sel $0xFFFF  }
0xbe: {  	[dreg:$0x0] =	wrdreg $0xFFFFFFFF;
	(pc) =	sbr.abs _section_cstart, $3  }
0xbf: {  	[dreg:$0x1] =	wrdreg $0xFFFFFFFF  }
0xc0: {  	_ =	task.clear_ibuf [dreg:s6], $0x2FFFF;
	_ =	strace $0x9FFFFFFF  }
0xc1: {  	(tm) =	ssettm $0x7FFFFFFF  }
tec
execute0_lowered:
.L_overlay_start_1:
0x0: {  	(tag) =	ssettag $0x1  }
0x1: {  	s0 =	srdreg.scid  }
0x2: {  	s3 =	sand.u32 $0x1, s0  }
0x3: {  	s0 =	stileid.u32;
	s1 =	sshll.u32 s3, $0x4  }
0x4: {  	s4 =	rddreg [dreg:$0x0];
	s2 =	simm.s32 $0x0;
	s1 =	sor.u32 s0, s1  }
0x5: {  	s7 =	simm.s32 $0x1;
	s8 =	simm.s32 $0x7800;
	s5 =	smul.u32 $0x7800, s1  }
0x6: {  	s9 =	simm.s32 $0x0;
	[smem:$0x7FF] =	sst s2;
	s3 =	ssub.s32 $0x2, s3  }
0x7: {  	s6 =	sshrl.u32 s3, $0x1;
	s1 =	rddreg [dreg:$0x1];
	s5 =	sshrl.u32 s5, $0x3  }
0x8: {  	_ =	strace $0x8000004A;
	s6 =	ssub.s32 s3, s6;
	s3 =	sadd.s32 s4, s5  }
0x9: {  	s6 =	smax.u32 s6, $0x1;
	s4 =	sadd.s32 $0x4FC00, s3;
	s5 =	sadd.s32 $0x6DC00, s3  }
.LBB2_1:
0xa: {  	[tilespmem:s2], [sflag:$0x1] =	stream.linear.gather [hbm4b:s4+s2], $0x7800, $0x38;
	[tilespmem:$0xF000] =	vst v63  }
0xb: {  	_ =	swait.ge [sflag:s7], $0x7800  }
0xc: {  	[sflag:s7] =	ssyncset.done $0x0  }
0xd: {  	[sflag:s7] =	ssyncadd.s32 $0xFFFF8800  }
0xe: {  	[tilespmem:s8], [sflag:$0x1] =	stream.linear.gather [hbm4b:s5+s2], $0x7800, $0x38;
	[tilespmem:$0xF000] =	vst v63  }
0xf: {  	_ =	swait.ge [sflag:s7], $0x7800  }
0x10: {  	[sflag:s7] =	ssyncset.done $0x0  }
0x11: {  	s10 =	simm.s32 $0x50;
	[sflag:s7] =	ssyncadd.s32 $0xFFFF8800  }
0x12: {  	v4 =	vld [tilespmem:s10+$0x77B0]  }
0x13: {  	v3 =	vld [tilespmem:s10+$0x77C0]  }
0x14: {  	v2 =	vld [tilespmem:s10+$0x77D0]  }
0x15: {  	v1 =	vld [tilespmem:s10+$0x77E0]  }
0x16: {  	v0 =	vld [tilespmem:s10+$0x7800]  }
0x17: {  	v8 =	vld [tilespmem:s10+$0xFFFFFFB0]  }
0x18: {  	v7 =	vld [tilespmem:s10+$0xFFFFFFC0]  }
0x19: {  	v6 =	vld [tilespmem:s10+$0xFFFFFFD0]  }
0x1a: {  	s11 =	simm.s32 $0x2C0;
	v5 =	vld [tilespmem:s10+$0xFFFFFFE0]  }
.LBB2_2:
0x1b: {  	p0 =	sne.s32 s11, $0x1DFC0;
	v9 =	vld [tilespmem:s10+$0x0]  }
0x1c: {  	v8 =	vadd.f32 v4, v8;
	v10 =	vld [tilespmem:s10+$0xFFFFFFF0]  }
0x1d: {  	s12 =	sshra.s32 s11, $0x2;
	v7 =	vadd.f32 v3, v7;
	v11 =	vld [tilespmem:s10+$0x77F0]  }
0x1e: {  	v4 =	vld [tilespmem:s12+$0x77B0];
	[tilespmem:s10+$0xFFFFFFB0] =	vst v8;
	v6 =	vadd.f32 v2, v6  }
0x1f: {  	v3 =	vld [tilespmem:s12+$0x77C0];
	[tilespmem:s10+$0xFFFFFFC0] =	vst v7;
	v5 =	vadd.f32 v1, v5  }
0x20: {  	v2 =	vld [tilespmem:s12+$0x77D0];
	[tilespmem:s10+$0xFFFFFFD0] =	vst v6;
	v6 =	vadd.f32 v0, v9  }
0x21: {  	v1 =	vld [tilespmem:s12+$0x77E0];
	[tilespmem:s10+$0xFFFFFFE0] =	vst v5  }
.Ltmp0:
0x22: {  	v0 =	vld [tilespmem:s12+$0x7800];
	v5 =	vadd.f32 v11, v10;
	[tilespmem:s10+$0x0] =	vst v6;
	(pc) =	sbr.rel @p0 .LBB2_2-.Ltmp0, $4  }
0x23: {  	v8 =	vld [tilespmem:s12+$0xFFFFFFB0]  }
0x24: {  	v7 =	vld [tilespmem:s12+$0xFFFFFFC0];
	[tilespmem:s10+$0xFFFFFFF0] =	vst v5;
	s10 =	smov.u32 s12  }
0x25: {  	v6 =	vld [tilespmem:s10+$0xFFFFFFD0]  }
0x26: {  	s11 =	sadd.s32 $0x180, s11;
	v5 =	vld [tilespmem:s10+$0xFFFFFFE0]  }
0x27: {  	v9 =	vld [tilespmem:s10+$0x0]  }
0x28: {  	v10 =	vld [tilespmem:s10+$0xFFFFFFF0]  }
0x29: {  	v62 =	vld [tilespmem:s10+$0x77F0];
	v4 =	vadd.f32 v4, v8  }
0x2a: {  	v3 =	vadd.f32 v3, v7  }
0x2b: {  	[tilespmem:s10+$0xFFFFFFB0] =	vst v4;
	v2 =	vadd.f32 v2, v6  }
0x2c: {  	[tilespmem:s10+$0xFFFFFFC0] =	vst v3;
	v1 =	vadd.f32 v1, v5  }
0x2d: {  	[tilespmem:s10+$0xFFFFFFD0] =	vst v2;
	v0 =	vadd.f32 v0, v9  }
0x2e: {  	s9 =	sadd.s32 $0x1, s9;
	v63 =	vadd.f32 v62, v10;
	[tilespmem:s10+$0xFFFFFFE0] =	vst v1  }
0x2f: {  	p0 =	sne.s32 s9, s6;
	[tilespmem:s10+$0x0] =	vst v0  }
.Ltmp1:
0x30: {  	[tilespmem:s10+$0xFFFFFFF0] =	vst v63;
	(pc) =	sbr.rel @p0 .LBB2_1-.Ltmp1, $4  }
0x31: {  	[hbm4b:s3+s2] =	stream.linear.scatter [tilespmem:s2], [sflag:$0x1], $0x7800, $0x38;
	[tilespmem:$0xF000] =	vst v63  }
0x32: {  	_ =	swait.ge [sflag:s7], $0x7800  }
0x33: {  	[sflag:s7] =	ssyncset.done $0x0  }
0x34: {  	[sflag:s7] =	ssyncadd.s32 $0xFFFF8800  }
0x35: {  	_ =	sfence.sel $0x180000  }
0x36: {  	[bflag:$0x0] =	sbarrier.arrive $0xFFFF  }
0x37: {  	p0 =	sne.s32 s0, $0x0;
	_ =	strace $0x9000004A  }
0x38: {  	s0 =	sadd.s32 @!p0 $0x100000, s1;
	[bflag:$0x2] =	sbarrier.arrive $0xFFFF  }
0x39: {  	[sflag:s0] =	ssyncadd.tile.s32 @!p0 $0x1;
	_ =	shalt  }
.Lfunc_end2:
_tile_overlayer_lowered:
.L_overlay_start_2:
0x3a: {  	(tag) =	ssettag $0x2  }
0x3b: {  	s0 =	rddreg [dreg:$0x0];
	s2 =	stileid.u32  }
0x3c: {  	s1 =	rddreg [dreg:$0x1];
	p0 =	sne.s32 s2, $0x0  }
0x3d: {  	s3 =	rddreg [dreg:$0x2];
	[bflag:$0x3] =	sbarrier.arrive $0xFFFF;
	s2 =	simm.s32 @!p0 $0x1C01  }
0x3e: {  	[timem:s3], [sflag:s2] =	dma.local @!p0 [hbm:s0], s1  }
0x3f: {  	s0 =	simm.s32 @!p0 $0x1  }
0x40: {  	_ =	swait.ge @!p0 [sflag:s0], s1  }
0x41: {  	s1 =	ssub.s32 @!p0 $0x0, s1;
	[sflag:s0] =	ssyncset.done @!p0 $0x0  }
0x42: {  	[sflag:s0] =	ssyncadd.s32 @!p0 s1  }
0x43: {  	[bflag:$0x3] =	sbarrier.arrive $0xFFFF  }
0x44: {  	_ =	shalt  }

// kernel: kernel.16.cloned.1.call-start
scs
__scs_entry_jumppad:
0x0: {  	(pc) =	sbr.rel $0x88, $3  }
0x1: {  	(tag) =	ssettag $0x0;
	lr =	simm.s32 $0x1  }
0x2: {  	[smem:$0x3F97] =	sst lr;
	_ =	strace $0xD0000000  }
0x3: {  	_ = 	snop  }
0x4: {  	_ = 	snop  }
0x5: {  	_ = 	snop  }
0x6: {  	_ = 	snop  }
0x7: {  	_ = 	snop  }
__scs_overlays_trampoline_lowered:
0x8: {  	[smem:$0x3FA6] =	sst s0  }
0x9: {  	[smem:$0x3FA7] =	sst s1  }
0xa: {  	[smem:$0x3FA8] =	sst s2  }
0xb: {  	[smem:$0x3FA9] =	sst s3  }
0xc: {  	[smem:$0x3FAA] =	sst s4  }
0xd: {  	[smem:$0x3FAB] =	sst s5  }
0xe: {  	[smem:$0x3FAC] =	sst s6  }
0xf: {  	[smem:$0x3FAD] =	sst s7  }
0x10: {  	[smem:$0x3FAE] =	sst s8  }
0x11: {  	[smem:$0x3FAF] =	sst s9;
	s0 =	simm.s32 @!p0 $0x0  }
0x12: {  	s1 =	sld [smem:$0x3F95];
	s0 =	simm.s32 @p0 $0x1  }
0x13: {  	[smem:$0x3FB0] =	sst s0;
	s0 =	simm.s32 @!p1 $0x0  }
0x14: {  	s2 =	sld [smem:$0x3F94];
	s0 =	simm.s32 @p1 $0x1  }
0x15: {  	[smem:$0x3FB1] =	sst s0;
	s0 =	simm.s32 @!p2 $0x0  }
0x16: {  	s3 =	sld [smem:$0x3FDB];
	s0 =	simm.s32 @p2 $0x1  }
0x17: {  	s4 =	simm.s32 $0x1BF5;
	[smem:$0x3FB3] =	sst s0  }
0x18: {  	s0 =	sld [smem:$0x3F96];
	_ =	swait.ge [sflag:s4], $0x0  }
0x19: {  	s7 =	sld [smem:$0x3F97]  }
0x1a: {  	s8 =	sadd.s32 $0xFFFFE003, lr  }
0x1b: {  	s9 =	sadd.s32 $0xFFFFFEF7, lr;
	s5 =	simm.s32 $0xFFFFFFFF;
	p2 =	slt.u32 s8, $0xFFFFF086  }
0x1c: {  	p1 =	slt.u32 s9, $0xF7A;
	s5 =	simm.s32 @!p2 $0x0  }
0x1d: {  	s5 =	simm.s32 @p1 $0x1;
	p0 =	seq.s32 s7, s2  }
0x1e: {  	s7 =	smul.u32 @!p0 $0xF7A, s2;
	p2 =	seq.s32 @!p0 s5, $0x0  }
0x1f: {  	s9 =	smul.u32 $0xF7A, s1;
	s8 =	simm.s32 @!p0 $0x1BF5;
	p2 =	por !p2, p0  }
0x20: {  	[sflag:s8] =	ssyncset.s32 @!p0 $0xFFFFF086;
	s6 =	sadd.s32 @!p0 s3, s7;
	s7 =	simm.s32 @!p0 $0x108  }
0x21: {  	s3 =	sadd.s32 s3, s9;
	s6 =	sadd.s32 @!p0 $0x88, s6;
	s7 =	simm.s32 @p2 $0x1082  }
0x22: {  	[simem:s7], [sflag:s8] =	dma.local @!p0 [hbm:s6], $0xF7A  }
0x23: {  	s9 =	sor.u32 $0xD0000000, s2;
	s6 =	simm.s32 $0x108;
	_ =	swait.ge @!p0 [sflag:s8], $0x0  }
0x24: {  	s3 =	sadd.s32 $0x88, s3;
	s6 =	simm.s32 @!p1 $0x1082;
	[sflag:s4] =	ssyncset.s32 $0xFFFFF086  }
0x25: {  	[simem:s6], [sflag:s4] =	dma.local [hbm:s3], $0xF7A  }
0x26: {  	[smem:$0x3F97] =	sst s1;
	(tag) =	ssettag s2;
	_ =	strace s9  }
0x27: {  	s1 =	sld [smem:$0x3FA7]  }
0x28: {  	s2 =	sld [smem:$0x3FA8]  }
0x29: {  	s4 =	sld [smem:$0x3FAA]  }
0x2a: {  	p0 =	seq.s32 s5, $0x0;
	s5 =	sld [smem:$0x3FAB]  }
0x2b: {  	s6 =	sld [smem:$0x3FAC]  }
0x2c: {  	s7 =	sld [smem:$0x3FAD]  }
0x2d: {  	s3 =	simm.s32 $0x108;
	s8 =	sld [smem:$0x3FAE]  }
0x2e: {  	s3 =	simm.s32 @!p0 $0x1082;
	s9 =	sld [smem:$0x3FAF]  }
0x2f: {  	lr =	sadd.s32 s0, s3;
	s0 =	sld [smem:$0x3FA6]  }
0x30: {  	s3 =	sld [smem:$0x3FA9]  }
0x31: {  	[smem:$0x3FB2] =	sst s10  }
0x32: {  	s10 =	sld [smem:$0x3FB0];
	_ =	sdelay $0x3  }
0x33: {  	p0 =	seq.s32 s10, $0x1;
	s10 =	sld [smem:$0x3FB2];
	_ =	sdelay $0x3  }
0x34: {  	[smem:$0x3FB2] =	sst s10  }
0x35: {  	s10 =	sld [smem:$0x3FB1];
	_ =	sdelay $0x3  }
0x36: {  	p1 =	seq.s32 s10, $0x1;
	s10 =	sld [smem:$0x3FB2];
	_ =	sdelay $0x3  }
0x37: {  	[smem:$0x3FB2] =	sst s10  }
0x38: {  	s10 =	sld [smem:$0x3FB3]  }
0x39: {  	_ = 	snop;
	(pc) =	sbr.ind lr, $3  }
0x3a: {  	_ = 	snop  }
0x3b: {  	_ = 	snop  }
0x3c: {  	p2 =	seq.s32 s10, $0x1;
	s10 =	sld [smem:$0x3FB2]  }
0x3d: {  	_ =	shalt  }
0x3e: {  	_ =	shalt  }
0x3f: {  	_ =	shalt  }
0x40: {  	_ =	shalt  }
0x41: {  	_ =	shalt  }
0x42: {  	_ =	shalt  }
0x43: {  	_ =	shalt  }
0x44: {  	_ =	shalt  }
0x45: {  	_ =	shalt  }
0x46: {  	_ =	shalt  }
0x47: {  	_ =	shalt  }
0x48: {  	_ =	shalt  }
0x49: {  	_ =	shalt  }
0x4a: {  	_ =	shalt  }
0x4b: {  	_ =	shalt  }
0x4c: {  	_ =	shalt  }
0x4d: {  	_ =	shalt  }
0x4e: {  	_ =	shalt  }
0x4f: {  	_ =	shalt  }
0x50: {  	_ =	shalt  }
0x51: {  	_ =	shalt  }
0x52: {  	_ =	shalt  }
0x53: {  	_ =	shalt  }
0x54: {  	_ =	shalt  }
0x55: {  	_ =	shalt  }
0x56: {  	_ =	shalt  }
0x57: {  	_ =	shalt  }
0x58: {  	_ =	shalt  }
0x59: {  	_ =	shalt  }
0x5a: {  	_ =	shalt  }
0x5b: {  	_ =	shalt  }
0x5c: {  	_ =	shalt  }
0x5d: {  	_ =	shalt  }
0x5e: {  	_ =	shalt  }
0x5f: {  	_ =	shalt  }
0x60: {  	_ =	shalt  }
0x61: {  	_ =	shalt  }
0x62: {  	_ =	shalt  }
0x63: {  	_ =	shalt  }
0x64: {  	_ =	shalt  }
0x65: {  	_ =	shalt  }
0x66: {  	_ =	shalt  }
0x67: {  	_ =	shalt  }
0x68: {  	_ =	shalt  }
0x69: {  	_ =	shalt  }
0x6a: {  	_ =	shalt  }
0x6b: {  	_ =	shalt  }
0x6c: {  	_ =	shalt  }
0x6d: {  	_ =	shalt  }
0x6e: {  	_ =	shalt  }
0x6f: {  	_ =	shalt  }
0x70: {  	_ =	shalt  }
0x71: {  	_ =	shalt  }
0x72: {  	_ =	shalt  }
0x73: {  	_ =	shalt  }
0x74: {  	_ =	shalt  }
0x75: {  	_ =	shalt  }
0x76: {  	_ =	shalt  }
0x77: {  	_ =	shalt  }
0x78: {  	_ =	shalt  }
0x79: {  	_ =	shalt  }
0x7a: {  	_ =	shalt  }
0x7b: {  	_ =	shalt  }
0x7c: {  	_ =	shalt  }
0x7d: {  	_ =	shalt  }
0x7e: {  	_ =	shalt  }
0x7f: {  	_ =	shalt  }
0x80: {  	_ =	shalt  }
0x81: {  	_ =	shalt  }
0x82: {  	_ =	shalt  }
0x83: {  	_ =	shalt  }
0x84: {  	_ =	shalt  }
0x85: {  	_ =	shalt  }
0x86: {  	_ =	shalt  }
0x87: {  	_ =	shalt  }
.Lfunc_end0:
.L_simem_size_0:
called_computation.2_lowered:
.L_overlay_start_0:
0x88: {  	s2 =	sld [smem:$0x3FD9]  }
0x89: {  	s3 =	sld [smem:$0x3FFE];
	_ =	sdelay $0x1  }
0x8a: {  	s1 =	srdreg.scid  }
0x8b: {  	s0 =	sand.u32 $0x1, s1  }
0x8c: {  	s16 =	sshll.u32 s0, $0xA;
	s2 =	sadd.s32 s3, s2  }
0x8d: {  	s2 =	sadd.s32 s2, s16  }
0x8e: {  	[smem:$0x3FBE] =	sst s2  }
0x8f: {  	_ = 	snop  }
0x90: {  	(tm) =	ssettm $0x1  }
0x91: {  	s17 =	sld [smem:$0x3FFB];
	_ =	sdelay $0x3  }
0x92: {  	_ =	strace s17  }
0x93: {  	s2 =	sld [smem:$0x3FFC];
	_ =	sdelay $0x3  }
0x94: {  	_ =	strace s2  }
0x95: {  	s2 =	sld [smem:$0x3FFD];
	_ =	sdelay $0x3  }
0x96: {  	_ =	strace s2  }
0x97: {  	_ =	strace $0x8FFFFFFF  }
0x98: {  	s18 =	sld [smem:$0x3FDB];
	_ =	sdelay $0x1  }
0x99: {  	s19 =	simm.s32 $_scs_section_size  }
0x9a: {  	s4 =	simm.s32 $_size__tile_overlayer_lowered;
	s5 =	simm.s32 $_tile_overlayer_lowered  }
0x9b: {  	s22 =	simm.s32 $0x1BFF;
	s21 =	sshll.u32 s5, $0x1;
	s2 =	sadd.s32 s19, s18  }
0x9c: {  	s6 =	simm.s32 $0x0;
	s20 =	sshll.u32 s4, $0x1;
	s4 =	sadd.s32 s21, s2  }
0x9d: {  	[timem:s6], [sflag:s22] =	dma.local [hbm:s4], s20  }
0x9e: {  	_ =	swait.ge [sflag:s22], s20  }
0x9f: {  	s3 =	ssub.s32 $0x0, s20;
	[sflag:s22] =	ssyncset.done $0x0  }
0xa0: {  	[sflag:s22] =	ssyncadd.s32 s3;
	_ =	sdelay $0x1  }
0xa1: {  	s23 =	simm.s32 $0x1B8B  }
0xa2: {  	_ =	swait.ge [sflag:s23], $0x1  }
0xa3: {  	[sflag:s23] =	ssyncset.done $0x0  }
0xa4: {  	s25 =	simm.s32 $0x1B8E;
	s24 =	sld [smem:$0x3FFE];
	[sflag:s23] =	ssyncadd.s32 $0xFFFFFFFF  }
0xa5: {  	s26 =	simm.s32 $execute0_lowered;
	[smem:$0x3FD2] =	sst s25  }
0xa6: {  	s4 =	sshll.u32 s26, $0x1;
	_ =	strace $0x8000004C;
	[dreg:$0x1] =	wrdreg $0xFFFFFFFF  }
0xa7: {  	s28 =	simm.s32 $_size_execute0_lowered;
	s2 =	sadd.s32 s2, s4;
	[dreg:$0x0] =	wrdreg $0x0  }
0xa8: {  	s4 =	sshll.u32 s28, $0x1;
	[dreg:$0x2] =	wrdreg s2  }
0xa9: {  	[dreg:$0x3] =	wrdreg s4  }
0xaa: {  	[dreg:$0x4] =	wrdreg $0xC0  }
0xab: {  	_ =	task [dreg:s6], $0x5FFFF  }
0xac: {  	[dreg:$0x1] =	wrdreg $0xFFFFFFFF  }
0xad: {  	[dreg:$0x0] =	wrdreg $0x60  }
0xae: {  	[dreg:$0x2] =	wrdreg s24  }
0xaf: {  	[dreg:$0x3] =	wrdreg $0x0  }
0xb0: {  	[dreg:$0x4] =	wrdreg $0x9  }
0xb1: {  	_ =	task.clear_ibuf [dreg:s6], $0x5FFFF;
	_ =	strace $0x9000004C  }
0xb2: {  	s29 =	simm.s32 $0x9;
	_ =	strace $0x8000004E  }
0xb3: {  	_ =	swait.ge [sflag:s29], $0x1  }
0xb4: {  	[sflag:s29] =	ssyncadd.s32 $0xFFFFFFFF  }
0xb5: {  	_ =	strace $0x9000004E  }
0xb6: {  	_ =	sfence  }
0xb7: {  	s30 =	sld [smem:$0x0];
	_ =	sdelay $0x2  }
0xb8: {  	s31 =	sshll.u32 s1, $0xD;
	s1 =	sshrl.u32 s1, $0x2  }
0xb9: {  	s3 =	sand.u32 $0x4000, s31;
	s1 =	sadd.s32 s1, s30  }
0xba: {  	s0 =	sor.u32 s3, s0;
	s1 =	sshll.u32 s1, $0x11  }
0xbb: {  	s0 =	sor.u32 s1, s0  }
0xbc: {  	s0 =	sadd.s32 $0x8F2B, s0  }
0xbd: {  	[sflag:s0] =	ssyncadd.remote.s32 $0x1  }
0xbe: {  	_ =	sfence.sel $0xFFFF  }
0xbf: {  	[dreg:$0x0] =	wrdreg $0xFFFFFFFF;
	(pc) =	sbr.abs _section_cstart, $3  }
0xc0: {  	[dreg:$0x1] =	wrdreg $0xFFFFFFFF  }
0xc1: {  	_ =	task.clear_ibuf [dreg:s6], $0x2FFFF;
	_ =	strace $0x9FFFFFFF  }
0xc2: {  	(tm) =	ssettm $0x7FFFFFFF  }
0xc3: {  	_ =	shalt  }
tec
execute0_lowered:
.L_overlay_start_1:
0x0: {  	(tag) =	ssettag $0x1  }
0x1: {  	s2 =	rddreg [dreg:$0x0]  }
0x2: {  	s3 =	rddreg [dreg:$0x1]  }
0x3: {  	s0 =	rddreg [dreg:$0x2];
	s1 =	stileid.u32  }
0x4: {  	s5 =	srdreg.scid;
	s4 =	simm.s32 $0x0;
	s16 =	simm.s32 $0xA980  }
0x5: {  	s17 =	simm.s32 $0x80;
	s18 =	simm.s32 $0xDB00;
	s19 =	simm.s32 $0xF300  }
0x6: {  	s20 =	simm.s32 $0x1;
	s21 =	simm.s32 $0x2;
	s6 =	smul.u32 $0x7800, s1  }
0x7: {  	s13 =	sand.u32 $0x1, s5;
	[smem:$0x7FF] =	sst s4;
	s11 =	smul.u32 $0x1D80, s1  }
0x8: {  	s8 =	sadd.s32 $0x1E000, s2;
	s9 =	sadd.s32 $0x27E00, s2;
	s29 =	smul.u32 $0x630, s1  }
0x9: {  	s31 =	sshll.u32 s1, $0x6;
	s5 =	smul.u32 $0x78000, s13;
	_ =	strace $0x8000004D  }
0xa: {  	s10 =	ssub.s32 $0x2, s13;
	p0 =	seq.s32 s13, $0x0;
	s7 =	sshrl.u32 s6, $0x3  }
0xb: {  	s26 =	sshrl.u32 s10, $0x1;
	s28 =	sshrl.u32 s11, $0x3;
	s15 =	sadd.s32 s6, s3  }
0xc: {  	s5 =	sadd.s32 s6, s5;
	s7 =	sadd.s32 s7, s2;
	s14 =	ssub.s32 s10, s26  }
.Ltmp0:
0xd: {  	s30 =	sadd.s32 $0x6300, s28;
	s13 =	sshrl.u32 s15, $0x3;
	(pc) =	sbr.rel .LBB2_1-.Ltmp0, $4  }
0xe: {  	s15 =	simm.s32 $0x7800;
	s5 =	sshrl.u32 s5, $0x3;
	s6 =	sadd.s32 s8, s30  }
0xf: {  	s8 =	sadd.s32 s8, s29;
	s11 =	smax.u32 s14, $0x1;
	s14 =	simm.s32 $0x3  }
0x10: {  	s12 =	sadd.s32 s5, s2;
	s5 =	sadd.s32 $0x31C00, s7;
	s7 =	sadd.s32 s9, s30  }
0x11: {  	s9 =	sadd.s32 s9, s29;
	s10 =	sadd.s32 $0x40C00, s12;
	s12 =	sor.u32 $0x1C03, s31  }
.LBB2_8:
0x12: {  	s23 =	sadd.s32 $0xAA00, s22;
	[sflag:s14] =	ssyncadd.s32 @p1 $0xFFFFE800  }
0x13: {  	[tilespmem:s19], [sflag:$0x2] =	stream.indirect.gather [hbm4b:s2+s17], $0x30, s23, s17, $0xb8;
	[tilespmem:$0x10B00] =	vst v63  }
0x14: {  	_ =	swait.ge [sflag:s20], $0x1800  }
0x15: {  	[sflag:s20] =	ssyncset.done $0x0  }
0x16: {  	s29 =	sadd.s32 $0x7800, s22;
	[sflag:s20] =	ssyncadd.s32 $0xFFFFE800  }
0x17: {  	[spmem:s3] =	stream.indirect.scatter.add.f32 [tilespmem:s18], [sflag:$0x3], $0x30, s29, s17, $0xb8;
	[tilespmem:$0x10B00] =	vst v63  }
0x18: {  	_ =	swait.ge [sflag:s14], $0x1800  }
0x19: {  	[sflag:s14] =	ssyncset.done $0x0  }
0x1a: {  	s30 =	sadd.s32 $0xAA80, s22;
	[sflag:s14] =	ssyncadd.s32 $0xFFFFE800  }
0x1b: {  	[tilespmem:s18], [sflag:$0x1] =	stream.indirect.gather [hbm4b:s2+s17], $0x30, s30, s17, $0xb8;
	[tilespmem:$0x10B00] =	vst v63  }
0x1c: {  	_ =	swait.ge [sflag:s21], $0x1800  }
0x1d: {  	[sflag:s21] =	ssyncset.done $0x0  }
0x1e: {  	s31 =	sadd.s32 $0x7880, s22;
	[sflag:s21] =	ssyncadd.s32 $0xFFFFE800  }
0x1f: {  	[spmem:s3] =	stream.indirect.scatter.add.f32 [tilespmem:s19], [sflag:$0x3], $0x30, s31, s17, $0xb8;
	[tilespmem:$0x10B00] =	vst v63  }
0x20: {  	_ =	swait.ge [sflag:s14], $0x1800  }
0x21: {  	[sflag:s14] =	ssyncset.done $0x0  }
0x22: {  	s22 =	simm.s32 $0xA900;
	[sflag:s14] =	ssyncadd.s32 $0xFFFFE800  }
.LBB2_9:
0x23: {  	_ =	swait.ge [sflag:s20], $0x1800  }
0x24: {  	[sflag:s20] =	ssyncset.done $0x0  }
0x25: {  	[sflag:s20] =	ssyncadd.s32 $0xFFFFE800  }
0x26: {  	[spmem:s3] =	stream.indirect.scatter.add.f32 [tilespmem:s18], [sflag:$0x3], $0x30, s22, s17, $0xb8;
	[tilespmem:$0x10B00] =	vst v63  }
0x27: {  	_ =	swait.ge [sflag:s14], $0x1800  }
0x28: {  	s4 =	sadd.s32 $0x1, s4;
	[sflag:s14] =	ssyncset.done $0x0  }
0x29: {  	p1 =	sne.s32 s4, s11;
	[sflag:s14] =	ssyncadd.s32 $0xFFFFE800  }
.Ltmp1:
0x2a: {  	[bflag:$0x0] =	sbarrier.arrive $0xFFFF;
	(pc) =	sbr.rel @!p1 .LBB2_10-.Ltmp1, $4  }
0x2b: {  	[hbm:s10], [sflag:s12] =	dma.local [spmem:s13], $0xF00  }
0x2c: {  	_ =	swait.ge [sflag:s14], $0xF00  }
0x2d: {  	[sflag:s14] =	ssyncset.done $0x0  }
0x2e: {  	[sflag:s14] =	ssyncadd.s32 $0xFFFFF100  }
.LBB2_1:
.Ltmp2:
0x2f: {  	(pc) =	sbr.rel @!p0 .LBB2_2-.Ltmp2, $4  }
0x30: {  	[spmem:s13], [sflag:s12] =	dma.local [hbm:s5], $0xF00  }
0x31: {  	_ =	swait.ge [sflag:s14], $0xF00  }
0x32: {  	[sflag:s14] =	ssyncset.done $0x0  }
0x33: {  	s22 =	simm.s32 $0x0;
	[sflag:s14] =	ssyncadd.s32 $0xFFFFF100  }
0x34: {  	[tilespmem:s15], [sflag:$0x3] =	stream.linear.gather [hbm4b:s8+s22], $0x3180, $0x38;
	[tilespmem:$0x10B00] =	vst v63  }
0x35: {  	_ =	swait.ge [sflag:s14], $0x3180  }
0x36: {  	[sflag:s14] =	ssyncset.done $0x0  }
0x37: {  	p2 =	por $0x0, $0x0;
	[sflag:s14] =	ssyncadd.s32 $0xFFFFCE80  }
0x38: {  	[tilespmem:s16], [sflag:$0x3] =	stream.linear.gather [hbm4b:s9+s22], $0x3180, $0x38;
	[tilespmem:$0x10B00] =	vst v63  }
.Ltmp3:
0x39: {  	_ =	swait.ge [sflag:s14], $0x3180;
	(pc) =	sbr.rel @p2 .LBB2_8-.Ltmp3, $4  }
0x3a: {  	[sflag:s14] =	ssyncset.done $0x0  }
0x3b: {  	[sflag:s14] =	ssyncadd.s32 $0xFFFFCE80  }
0x3c: {  	p1 =	por $0x0, $0x0;
	s22 =	simm.s32 $0x0;
	[bflag:$0x0] =	sbarrier.arrive $0xFFFF  }
0x3d: {  	[tilespmem:s18], [sflag:$0x1] =	stream.indirect.gather [hbm4b:s2+s17], $0x30, s16, s17, $0xb8;
	[tilespmem:$0x10B00] =	vst v63  }
0x3e: {  	s22 =	simm.s32 $0xAA00  }
0x3f: {  	[tilespmem:s19], [sflag:$0x2] =	stream.indirect.gather [hbm4b:s2+s17], $0x30, s22, s17, $0xb8;
	[tilespmem:$0x10B00] =	vst v63  }
0x40: {  	_ =	swait.ge [sflag:s20], $0x1800  }
0x41: {  	[sflag:s20] =	ssyncset.done $0x0  }
0x42: {  	s29 =	simm.s32 $0x7800;
	[sflag:s20] =	ssyncadd.s32 $0xFFFFE800  }
0x43: {  	[spmem:s3] =	stream.indirect.scatter.add.f32 [tilespmem:s18], [sflag:$0x3], $0x30, s29, s17, $0xb8;
	[tilespmem:$0x10B00] =	vst v63  }
0x44: {  	_ =	swait.ge [sflag:s14], $0x1800  }
0x45: {  	[sflag:s14] =	ssyncset.done $0x0  }
0x46: {  	s30 =	simm.s32 $0xAA80;
	[sflag:s14] =	ssyncadd.s32 $0xFFFFE800  }
0x47: {  	[tilespmem:s18], [sflag:$0x1] =	stream.indirect.gather [hbm4b:s2+s17], $0x30, s30, s17, $0xb8;
	[tilespmem:$0x10B00] =	vst v63  }
0x48: {  	p2 =	por $0x0, $0x0;
	_ =	swait.ge [sflag:s21], $0x1800  }
.Ltmp4:
0x49: {  	[sflag:s21] =	ssyncset.done $0x0;
	(pc) =	sbr.rel @p2 .LBB2_8-.Ltmp4, $4  }
0x4a: {  	s31 =	simm.s32 $0x7880;
	[sflag:s21] =	ssyncadd.s32 $0xFFFFE800  }
0x4b: {  	[spmem:s3] =	stream.indirect.scatter.add.f32 [tilespmem:s19], [sflag:$0x3], $0x30, s31, s17, $0xb8;
	[tilespmem:$0x10B00] =	vst v63  }
0x4c: {  	s23 =	simm.s32 $0x800;
	_ =	swait.ge [sflag:s14], $0x1800  }
0x4d: {  	p1 =	por $0x1, $0x1;
	s22 =	simm.s32 $0x100;
	[sflag:s14] =	ssyncset.done $0x0  }
.LBB2_7:
0x4e: {  	s24 =	sadd.s32 $0xAA00, s22  }
0x4f: {  	[sflag:s14] =	ssyncadd.s32 $0xFFFFE800;
	s25 =	smov.u32 s23;
	s26 =	sadd.s32 $0x400, s23  }
0x50: {  	[tilespmem:s19], [sflag:$0x2] =	stream.indirect.gather [hbm4b:s2+s17], $0x30, s24, s17, $0xb8;
	[tilespmem:$0x10B00] =	vst v63  }
0x51: {  	p2 =	seq.s32 s23, $0xC000;
	_ =	swait.ge [sflag:s20], $0x1800  }
0x52: {  	[sflag:s20] =	ssyncset.done $0x0  }
0x53: {  	s23 =	sadd.s32 $0x7800, s22;
	[sflag:s20] =	ssyncadd.s32 $0xFFFFE800  }
0x54: {  	[spmem:s3] =	stream.indirect.scatter.add.f32 [tilespmem:s18], [sflag:$0x3], $0x30, s23, s17, $0xb8;
	[tilespmem:$0x10B00] =	vst v63  }
0x55: {  	_ =	swait.ge [sflag:s14], $0x1800  }
0x56: {  	[sflag:s14] =	ssyncset.done $0x0  }
0x57: {  	s23 =	sadd.s32 $0xAA80, s22;
	[sflag:s14] =	ssyncadd.s32 $0xFFFFE800  }
0x58: {  	[tilespmem:s18], [sflag:$0x1] =	stream.indirect.gather [hbm4b:s2+s17], $0x30, s23, s17, $0xb8;
	[tilespmem:$0x10B00] =	vst v63  }
0x59: {  	_ =	swait.ge [sflag:s21], $0x1800  }
.Ltmp5:
0x5a: {  	[sflag:s21] =	ssyncset.done $0x0;
	(pc) =	sbr.rel @!p2 .LBB2_7-.Ltmp5, $4  }
0x5b: {  	s22 =	sadd.s32 $0x7880, s22;
	[sflag:s21] =	ssyncadd.s32 $0xFFFFE800  }
0x5c: {  	[spmem:s3] =	stream.indirect.scatter.add.f32 [tilespmem:s19], [sflag:$0x3], $0x30, s22, s17, $0xb8;
	[tilespmem:$0x10B00] =	vst v63  }
0x5d: {  	_ =	swait.ge [sflag:s14], $0x1800  }
0x5e: {  	s23 =	smov.u32 s26;
	s22 =	sshra.s32 s25, $0x2;
	[sflag:s14] =	ssyncset.done $0x0  }
.Ltmp6:
0x5f: {  	_ = 	snop;
	(pc) =	sbr.rel .LBB2_8-.Ltmp6, $1  }
0x60: {  	_ =	sdelay $0x3  }
.LBB2_2:
0x61: {  	[tilespmem:s15], [sflag:$0x3] =	stream.linear.gather [hbm4b:s6+s22], $0x1D80, $0x38;
	[tilespmem:$0x10B00] =	vst v63  }
0x62: {  	_ =	swait.ge [sflag:s14], $0x1D80  }
0x63: {  	[sflag:s14] =	ssyncset.done $0x0  }
0x64: {  	[sflag:s14] =	ssyncadd.s32 $0xFFFFE280  }
0x65: {  	[tilespmem:s16], [sflag:$0x3] =	stream.linear.gather [hbm4b:s7+s22], $0x1D80, $0x38;
	[tilespmem:$0x10B00] =	vst v63  }
0x66: {  	_ =	swait.ge [sflag:s14], $0x1D80  }
0x67: {  	[sflag:s14] =	ssyncset.done $0x0  }
0x68: {  	[sflag:s14] =	ssyncadd.s32 $0xFFFFE280  }
0x69: {  	[bflag:$0x0] =	sbarrier.arrive $0xFFFF  }
0x6a: {  	[tilespmem:s18], [sflag:$0x1] =	stream.indirect.gather [hbm4b:s2+s17], $0x30, s16, s17, $0xb8;
	[tilespmem:$0x10B00] =	vst v63  }
0x6b: {  	s28 =	simm.s32 $0xAA00  }
0x6c: {  	[tilespmem:s19], [sflag:$0x2] =	stream.indirect.gather [hbm4b:s2+s17], $0x30, s28, s17, $0xb8;
	[tilespmem:$0x10B00] =	vst v63  }
0x6d: {  	_ =	swait.ge [sflag:s20], $0x1800  }
0x6e: {  	[sflag:s20] =	ssyncset.done $0x0  }
0x6f: {  	s29 =	simm.s32 $0x7800;
	[sflag:s20] =	ssyncadd.s32 $0xFFFFE800  }
0x70: {  	[spmem:s3] =	stream.indirect.scatter.add.f32 [tilespmem:s18], [sflag:$0x3], $0x30, s29, s17, $0xb8;
	[tilespmem:$0x10B00] =	vst v63  }
0x71: {  	_ =	swait.ge [sflag:s14], $0x1800  }
0x72: {  	[sflag:s14] =	ssyncset.done $0x0  }
0x73: {  	s30 =	simm.s32 $0xAA80;
	[sflag:s14] =	ssyncadd.s32 $0xFFFFE800  }
0x74: {  	[tilespmem:s18], [sflag:$0x1] =	stream.indirect.gather [hbm4b:s2+s17], $0x30, s30, s17, $0xb8;
	[tilespmem:$0x10B00] =	vst v63  }
0x75: {  	_ =	swait.ge [sflag:s21], $0x1800  }
0x76: {  	[sflag:s21] =	ssyncset.done $0x0  }
0x77: {  	s31 =	simm.s32 $0x7880;
	[sflag:s21] =	ssyncadd.s32 $0xFFFFE800  }
0x78: {  	[spmem:s3] =	stream.indirect.scatter.add.f32 [tilespmem:s19], [sflag:$0x3], $0x30, s31, s17, $0xb8;
	[tilespmem:$0x10B00] =	vst v63  }
0x79: {  	_ =	swait.ge [sflag:s14], $0x1800  }
0x7a: {  	s23 =	simm.s32 $0x800;
	s22 =	simm.s32 $0x100;
	[sflag:s14] =	ssyncset.done $0x0  }
.LBB2_3:
0x7b: {  	s24 =	sadd.s32 $0xAA00, s22  }
0x7c: {  	[sflag:s14] =	ssyncadd.s32 $0xFFFFE800;
	s25 =	smov.u32 s23;
	s26 =	sadd.s32 $0x400, s23  }
0x7d: {  	[tilespmem:s19], [sflag:$0x2] =	stream.indirect.gather [hbm4b:s2+s17], $0x30, s24, s17, $0xb8;
	[tilespmem:$0x10B00] =	vst v63  }
0x7e: {  	p1 =	sne.s32 s23, $0x7000;
	_ =	swait.ge [sflag:s20], $0x1800  }
0x7f: {  	[sflag:s20] =	ssyncset.done $0x0  }
0x80: {  	s23 =	sadd.s32 $0x7800, s22;
	[sflag:s20] =	ssyncadd.s32 $0xFFFFE800  }
0x81: {  	[spmem:s3] =	stream.indirect.scatter.add.f32 [tilespmem:s18], [sflag:$0x3], $0x30, s23, s17, $0xb8;
	[tilespmem:$0x10B00] =	vst v63  }
0x82: {  	_ =	swait.ge [sflag:s14], $0x1800  }
0x83: {  	[sflag:s14] =	ssyncset.done $0x0  }
0x84: {  	s23 =	sadd.s32 $0xAA80, s22;
	[sflag:s14] =	ssyncadd.s32 $0xFFFFE800  }
0x85: {  	[tilespmem:s18], [sflag:$0x1] =	stream.indirect.gather [hbm4b:s2+s17], $0x30, s23, s17, $0xb8;
	[tilespmem:$0x10B00] =	vst v63  }
0x86: {  	_ =	swait.ge [sflag:s21], $0x1800  }
.Ltmp7:
0x87: {  	[sflag:s21] =	ssyncset.done $0x0;
	(pc) =	sbr.rel @p1 .LBB2_3-.Ltmp7, $4  }
0x88: {  	s22 =	sadd.s32 $0x7880, s22;
	[sflag:s21] =	ssyncadd.s32 $0xFFFFE800  }
0x89: {  	[spmem:s3] =	stream.indirect.scatter.add.f32 [tilespmem:s19], [sflag:$0x3], $0x30, s22, s17, $0xb8;
	[tilespmem:$0x10B00] =	vst v63  }
0x8a: {  	_ =	swait.ge [sflag:s14], $0x1800  }
0x8b: {  	s23 =	smov.u32 s26;
	s22 =	sshra.s32 s25, $0x2;
	[sflag:s14] =	ssyncset.done $0x0  }
0x8c: {  	s23 =	sadd.s32 $0xAA00, s22;
	[sflag:s14] =	ssyncadd.s32 $0xFFFFE800  }
0x8d: {  	[tilespmem:s19], [sflag:$0x2] =	stream.indirect.gather [hbm4b:s2+s17], $0x30, s23, s17, $0xb8;
	[tilespmem:$0x10B00] =	vst v63  }
0x8e: {  	_ =	swait.ge [sflag:s20], $0x1800  }
0x8f: {  	[sflag:s20] =	ssyncset.done $0x0  }
0x90: {  	s29 =	sadd.s32 $0x7800, s22;
	[sflag:s20] =	ssyncadd.s32 $0xFFFFE800  }
0x91: {  	[spmem:s3] =	stream.indirect.scatter.add.f32 [tilespmem:s18], [sflag:$0x3], $0x30, s29, s17, $0xb8;
	[tilespmem:$0x10B00] =	vst v63  }
0x92: {  	_ =	swait.ge [sflag:s14], $0x1800  }
0x93: {  	[sflag:s14] =	ssyncset.done $0x0  }
0x94: {  	s30 =	sadd.s32 $0xAA80, s22;
	[sflag:s14] =	ssyncadd.s32 $0xFFFFE800  }
0x95: {  	[tilespmem:s18], [sflag:$0x1] =	stream.indirect.gather [hbm4b:s2+s17], $0x30, s30, s17, $0xb8;
	[tilespmem:$0x10B00] =	vst v63  }
0x96: {  	_ =	swait.ge [sflag:s21], $0x1800  }
0x97: {  	[sflag:s21] =	ssyncset.done $0x0  }
.Ltmp8:
0x98: {  	s31 =	sadd.s32 $0x7880, s22;
	[sflag:s21] =	ssyncadd.s32 $0xFFFFE800;
	(pc) =	sbr.rel .LBB2_9-.Ltmp8, $4  }
0x99: {  	[spmem:s3] =	stream.indirect.scatter.add.f32 [tilespmem:s19], [sflag:$0x3], $0x30, s31, s17, $0xb8;
	[tilespmem:$0x10B00] =	vst v63  }
0x9a: {  	_ =	swait.ge [sflag:s14], $0x1800  }
0x9b: {  	[sflag:s14] =	ssyncset.done $0x0  }
0x9c: {  	s22 =	simm.s32 $0x9500;
	[sflag:s14] =	ssyncadd.s32 $0xFFFFE800  }
.LBB2_10:
0x9d: {  	_ =	sfence.sel $0x180000  }
0x9e: {  	[bflag:$0x0] =	sbarrier.arrive $0xFFFF  }
0x9f: {  	p0 =	sne.s32 s1, $0x0;
	_ =	strace $0x9000004D  }
0xa0: {  	s0 =	sadd.s32 @!p0 $0x100000, s0;
	[bflag:$0x2] =	sbarrier.arrive $0xFFFF  }
0xa1: {  	[sflag:s0] =	ssyncadd.tile.s32 @!p0 $0x1;
	_ =	shalt  }
.Lfunc_end2:
_tile_overlayer_lowered:
.L_overlay_start_2:
0xa2: {  	(tag) =	ssettag $0x2  }
0xa3: {  	s0 =	rddreg [dreg:$0x0];
	s2 =	stileid.u32  }
0xa4: {  	s1 =	rddreg [dreg:$0x1];
	p0 =	sne.s32 s2, $0x0  }
0xa5: {  	s3 =	rddreg [dreg:$0x2];
	[bflag:$0x3] =	sbarrier.arrive $0xFFFF;
	s2 =	simm.s32 @!p0 $0x1C03  }
0xa6: {  	[timem:s3], [sflag:s2] =	dma.local @!p0 [hbm:s0], s1  }
0xa7: {  	s0 =	simm.s32 @!p0 $0x3  }
0xa8: {  	_ =	swait.ge @!p0 [sflag:s0], s1  }
0xa9: {  	s1 =	ssub.s32 @!p0 $0x0, s1;
	[sflag:s0] =	ssyncset.done @!p0 $0x0  }
0xaa: {  	[sflag:s0] =	ssyncadd.s32 @!p0 s1  }
0xab: {  	[bflag:$0x3] =	sbarrier.arrive $0xFFFF  }
0xac: {  	_ =	shalt  }

</sc_bundles>
